<compile_context>
chip_gen: v7x
topology: tpu7x:2x2x1
jax: 0.10.2.dev20260603
libtpu: 0.0.44.dev20260713+nightly
codegen_flags: <defaults>
</compile_context>

<pallas_src>
import functools

import jax
import jax.numpy as jnp
from jax import lax
from jax.experimental import pallas as pl
from jax.experimental.pallas import tpu as pltpu
from jax.experimental.pallas import tpu_sc as plsc


def _topk_kernel(a1_ref, n1_ref, a2_ref, n2_ref, idx_ref, w_ref, *, S):
    a1 = a1_ref[0]
    a2 = a2_ref[0]
    cross = jnp.dot(a1, a2.T, preferred_element_type=jnp.float32)
    work = (n1_ref[0] + n2_ref[0]) - 2.0 * cross
    tn = work.shape[0]
    iota = lax.broadcasted_iota(jnp.int32, (tn, S), 1)
    wsum = jnp.zeros((tn, 1), jnp.float32)
    wks = []
    for k in range(3):
        mk = jnp.min(work, axis=-1, keepdims=True)
        mask = work == mk
        jk = jnp.min(jnp.where(mask, iota, S), axis=-1,
                     keepdims=True).astype(jnp.float32)
        dk = jnp.maximum(jnp.sqrt(jnp.maximum(mk, 0.0)), 1e-10)
        wk = 1.0 / dk
        wsum = wsum + wk
        wks.append(wk)
        idx_ref[0, :, k:k + 1] = jk
        if k < 2:
            work = jnp.where(mask, jnp.inf, work)
    for k in range(3):
        w_ref[0, :, k:k + 1] = wks[k] / wsum


def _mlp_kernel(f1_ref, it_ref, w1a_ref, w1b_ref, b1_ref, w2_ref, b2_ref,
                out_ref):
    f1 = f1_ref[0]
    it = it_ref[0]
    h = jnp.dot(f1, w1a_ref[...], preferred_element_type=jnp.float32)
    h = h + lax.dot_general(it, w1b_ref[...], (((0,), (0,)), ((), ())),
                            preferred_element_type=jnp.float32)
    h = jnp.maximum(h + b1_ref[...], 0.0)
    o = jnp.dot(h, w2_ref[...], preferred_element_type=jnp.float32)
    out_ref[0] = jnp.maximum(o + b2_ref[...], 0.0)


def _sc_interp(feat2, idxT, wT):
    B, S, C2 = feat2.shape
    N = idxT.shape[-1]
    NC, NS = 2, 16
    NW = NC * NS
    per_w = (B * N) // NW
    parts = NW // B
    mesh = plsc.VectorSubcoreMesh(core_axis_name="c", subcore_axis_name="s",
                                  num_cores=NC, num_subcores=NS)

    @functools.partial(
        pl.kernel, mesh=mesh,
        compiler_params=pltpu.CompilerParams(needs_layout_passes=False),
        out_type=jax.ShapeDtypeStruct((B, C2, N), jnp.float32),
        scratch_types=[
            pltpu.VMEM((S, C2), jnp.float32),
            pltpu.VMEM((3, per_w), jnp.int32),
            pltpu.VMEM((3, per_w), jnp.float32),
            pltpu.VMEM((C2, 128), jnp.float32),
        ],
    )
    def k(feat2_hbm, idx_hbm, w_hbm, out_hbm, f2_v, idx_v, w_v, ob_v):
        wid = lax.axis_index("s") * NC + lax.axis_index("c")
        b = wid // parts
        base = (wid % parts) * per_w
        pltpu.sync_copy(feat2_hbm.at[b], f2_v)
        pltpu.sync_copy(idx_hbm.at[b, :, pl.ds(base, per_w)], idx_v)
        pltpu.sync_copy(w_hbm.at[b, :, pl.ds(base, per_w)], w_v)

        def block(g, _):
            p0 = g * 128

            def sub(s, _):
                q0 = p0 + s * 16
                r0 = idx_v[0, pl.ds(q0, 16)]
                r1 = idx_v[1, pl.ds(q0, 16)]
                r2 = idx_v[2, pl.ds(q0, 16)]
                w0 = w_v[0, pl.ds(q0, 16)]
                w1 = w_v[1, pl.ds(q0, 16)]
                w2 = w_v[2, pl.ds(q0, 16)]
                for c in range(C2):
                    cc = jnp.full((16,), c, jnp.int32)
                    g0 = plsc.load_gather(f2_v, [r0, cc])
                    g1 = plsc.load_gather(f2_v, [r1, cc])
                    g2 = plsc.load_gather(f2_v, [r2, cc])
                    ob_v[c, pl.ds(s * 16, 16)] = g0 * w0 + g1 * w1 + g2 * w2
                return 0

            lax.fori_loop(0, 8, sub, 0)
            pltpu.sync_copy(ob_v, out_hbm.at[b, :, pl.ds(base + p0, 128)])
            return 0

        lax.fori_loop(0, per_w // 128, block, 0)

    return k(feat2, idxT, wT)


@jax.jit
def kernel(xyz1, xyz2, feat1, feat2, W1, b1, W2, b2):
    B, N, _ = xyz1.shape
    S = xyz2.shape[1]
    C1 = feat1.shape[-1]
    TN = 4096

    n1 = jnp.sum(xyz1 * xyz1, axis=-1)[..., None]
    n2 = jnp.sum(xyz2 * xyz2, axis=-1)[:, None, :]
    a1 = jnp.concatenate([xyz1, jnp.zeros((B, N, 5), xyz1.dtype)], axis=-1)
    a2 = jnp.concatenate([xyz2, jnp.zeros((B, S, 5), xyz2.dtype)], axis=-1)

    idx_f, w = pl.pallas_call(
        functools.partial(_topk_kernel, S=S),
        grid=(B, N // TN),
        in_specs=[
            pl.BlockSpec((1, TN, 8), lambda b, n: (b, n, 0)),
            pl.BlockSpec((1, TN, 1), lambda b, n: (b, n, 0)),
            pl.BlockSpec((1, S, 8), lambda b, n: (b, 0, 0)),
            pl.BlockSpec((1, 1, S), lambda b, n: (b, 0, 0)),
        ],
        out_specs=[
            pl.BlockSpec((1, TN, 3), lambda b, n: (b, n, 0)),
            pl.BlockSpec((1, TN, 3), lambda b, n: (b, n, 0)),
        ],
        out_shape=[
            jax.ShapeDtypeStruct((B, N, 3), jnp.float32),
            jax.ShapeDtypeStruct((B, N, 3), jnp.float32),
        ],
    )(a1, n1, a2, n2)

    idxT = jnp.transpose(idx_f, (0, 2, 1)).astype(jnp.int32)
    wT = jnp.transpose(w, (0, 2, 1))

    interpT = _sc_interp(feat2, idxT, wT)

    W1a = W1[:C1]
    W1b = W1[C1:]
    b1r = b1.reshape(1, -1)
    b2r = b2.reshape(1, -1)
    out = pl.pallas_call(
        _mlp_kernel,
        grid=(B, N // TN),
        in_specs=[
            pl.BlockSpec((1, TN, C1), lambda b, n: (b, n, 0)),
            pl.BlockSpec((1, feat2.shape[-1], TN), lambda b, n: (b, 0, n)),
            pl.BlockSpec(W1a.shape, lambda b, n: (0, 0)),
            pl.BlockSpec(W1b.shape, lambda b, n: (0, 0)),
            pl.BlockSpec(b1r.shape, lambda b, n: (0, 0)),
            pl.BlockSpec(W2.shape, lambda b, n: (0, 0)),
            pl.BlockSpec(b2r.shape, lambda b, n: (0, 0)),
        ],
        out_specs=pl.BlockSpec((1, TN, W2.shape[-1]), lambda b, n: (b, n, 0)),
        out_shape=jax.ShapeDtypeStruct((B, N, W2.shape[-1]), jnp.float32),
    )(feat1, interpT, W1a, W1b, b1r, W2, b2r)
    return out

# --- scband reference (transcript-rebuilt; emitter-appended) ---
"""Pipeline reference for scband-point-net-feature-propagation-lite-27547920236660 (READ-ONLY COPY).

The authoritative reference and input builder live on the scoring server;
editing this copy changes nothing except your own understanding.
"""

import jax, jax.numpy as jnp
import numpy as np


def setup_inputs(seed: int = 0) -> dict:
    key = jax.random.key(seed)
    ks = jax.random.split(key, 6)
    B, N, S, C1, C2, in_ch, out_ch = 8, 16384, 512, 64, 64, 128, 128
    xyz1 = jax.random.normal(ks[0], (B, N, 3), dtype=jnp.float32)
    xyz2 = jax.random.normal(ks[1], (B, S, 3), dtype=jnp.float32)
    feat1 = jax.random.normal(ks[2], (B, N, C1), dtype=jnp.float32)
    feat2 = jax.random.normal(ks[3], (B, S, C2), dtype=jnp.float32)
    W1 = jax.random.normal(ks[4], (in_ch, out_ch), dtype=jnp.float32) * 0.05
    b1 = jnp.zeros((out_ch,), dtype=jnp.float32)
    W2 = jax.random.normal(ks[5], (out_ch, out_ch), dtype=jnp.float32) * 0.05
    b2 = jnp.zeros((out_ch,), dtype=jnp.float32)
    return {"xyz1": xyz1, "xyz2": xyz2, "feat1": feat1, "feat2": feat2,
            "W1": W1, "b1": b1, "W2": W2, "b2": b2}


def reference(xyz1, xyz2, feat1, feat2, W1, b1, W2, b2):
    # pairwise euclidean distance (torch.cdist equivalent)
    d2 = (jnp.sum(xyz1 ** 2, axis=-1)[:, :, None]
          + jnp.sum(xyz2 ** 2, axis=-1)[:, None, :]
          - 2.0 * jnp.einsum('bnd,bsd->bns', xyz1, xyz2))
    d = jnp.sqrt(jnp.clip(d2, 0.0, None))
    # 3 nearest neighbors (smallest distances)
    neg_vals, idx = jax.lax.top_k(-d, 3)  # idx: (B, N, 3)
    dist = jnp.clip(-neg_vals, 1e-10, None)
    w = 1.0 / dist
    w = w / jnp.sum(w, axis=-1, keepdims=True)
    # index_points: gather neighbor features (B, N, 3, C2)
    f2 = jax.vmap(lambda f, i: f[i])(feat2, idx)
    interp = jnp.sum(f2 * w[..., None], axis=2)  # (B, N, C2)
    x = jnp.concatenate([feat1, interp], axis=-1)  # (B, N, C1+C2)
    x = jax.nn.relu(x @ W1 + b1)
    x = jax.nn.relu(x @ W2 + b2)
    return x

if __name__ == "__main__":
    import jax
    _d = setup_inputs()
    print(jax.jit(kernel)(*tuple(_d.values())))

</pallas_src>

<mosaic_0001>
#map = affine_map<(d0, d1) -> (0, 0, 0)>
module attributes {stable_mosaic.version = 14 : i64} {
  func.func @k(%arg0: i32, %arg1: i32, %arg2: memref<8x512x64xf32, #tpu.memory_space<hbm>>, %arg3: memref<8x3x16384xi32, #tpu.memory_space<hbm>>, %arg4: memref<8x3x16384xf32, #tpu.memory_space<hbm>>, %arg5: memref<8x64x16384xf32, #tpu.memory_space<hbm>>, %arg6: memref<512x64xf32, #tpu.memory_space<vmem>>, %arg7: memref<3x4096xi32, #tpu.memory_space<vmem>>, %arg8: memref<3x4096xf32, #tpu.memory_space<vmem>>, %arg9: memref<64x128xf32, #tpu.memory_space<vmem>>) attributes {dimension_semantics = [#tpu.dimension_semantics<core_parallel>, #tpu.dimension_semantics<subcore_parallel>], iteration_bounds = array<i64: 2, 16>, scalar_prefetch = 0 : i64, scratch_operands = 4 : i64, tpu.core_type = #tpu.core_type<sc_vector_subcore>, window_params = [{transform_indices = #map}, {transform_indices = #map}, {transform_indices = #map}, {transform_indices = #map}]} {
    %mul3A = arith.constant 2 : i32
    %mul3A_0 = arith.muli %arg1, %mul3A : i32
    %add3A = arith.addi %mul3A_0, %arg0 : i32
    %jit3A = arith.constant 4 : i32
    %div3A = arith.divsi %add3A, %jit3A : i32
    %sign3A = arith.constant 0 : i32
    %sign3A_1 = arith.cmpi sgt, %add3A, %sign3A : i32
    %sign3A_2 = arith.extui %sign3A_1 : i1 to i32
    %sign3A_3 = arith.constant 0 : i32
    %sign3A_4 = arith.cmpi slt, %add3A, %sign3A_3 : i32
    %sign3A_5 = arith.extui %sign3A_4 : i1 to i32
    %sign3A_6 = arith.subi %sign3A_2, %sign3A_5 : i32
    %sign3A_7 = arith.constant 0 : i32
    %sign3A_8 = arith.cmpi sgt, %jit3A, %sign3A_7 : i32
    %sign3A_9 = arith.extui %sign3A_8 : i1 to i32
    %sign3A_10 = arith.constant 0 : i32
    %sign3A_11 = arith.cmpi slt, %jit3A, %sign3A_10 : i32
    %sign3A_12 = arith.extui %sign3A_11 : i1 to i32
    %sign3A_13 = arith.subi %sign3A_9, %sign3A_12 : i32
    %ne3A = arith.cmpi ne, %sign3A_6, %sign3A_13 : i32
    %rem3A = arith.remsi %add3A, %jit3A : i32
    %ne3A_14 = arith.constant 0 : i32
    %ne3A_15 = arith.cmpi ne, %rem3A, %ne3A_14 : i32
    %and3A = arith.andi %ne3A, %ne3A_15 : i1
    %sub3A = arith.constant 1 : i32
    %sub3A_16 = arith.subi %div3A, %sub3A : i32
    %select_n3A = arith.select %and3A, %sub3A_16, %div3A : i32
    %jit3A_17 = arith.constant 4 : i32
    %eq3A = arith.constant 0 : i32
    %eq3A_18 = arith.cmpi eq, %jit3A_17, %eq3A : i32
    %jit3A_19 = arith.constant 1 : i32
    %select_n3A_20 = arith.select %eq3A_18, %jit3A_19, %jit3A_17 : i32
    %rem3A_21 = arith.remsi %add3A, %select_n3A_20 : i32
    %ne3A_22 = arith.constant 0 : i32
    %ne3A_23 = arith.cmpi ne, %rem3A_21, %ne3A_22 : i32
    %lt3A = arith.constant 0 : i32
    %lt3A_24 = arith.cmpi slt, %rem3A_21, %lt3A : i32
    %lt3A_25 = arith.constant 0 : i32
    %lt3A_26 = arith.cmpi slt, %select_n3A_20, %lt3A_25 : i32
    %ne3A_27 = arith.xori %lt3A_24, %lt3A_26 : i1
    %and3A_28 = arith.andi %ne3A_27, %ne3A_23 : i1
    %add3A_29 = arith.addi %rem3A_21, %select_n3A_20 : i32
    %select_n3A_30 = arith.select %and3A_28, %add3A_29, %rem3A_21 : i32
    %mul3A_31 = arith.constant 4096 : i32
    %mul3A_32 = arith.muli %select_n3A_30, %mul3A_31 : i32
    "tpu.region"() ({
      %run_scoped3A = tpu.sem_alloc : memref<!tpu.dma_semaphore, #tpu.memory_space<semaphore_mem>>
      %dma_start3A = arith.constant 0 : i32
      %dma_start3A_39 = arith.constant 0 : i32
      %dma_start3A_40 = tpu.memref_slice %arg2[%select_n3A, %dma_start3A, %dma_start3A_39] : memref<8x512x64xf32, #tpu.memory_space<hbm>> -> memref<1x512x64xf32, #tpu.memory_space<hbm>>
      %dma_start3A_41 = tpu.memref_squeeze %dma_start3A_40 : memref<1x512x64xf32, #tpu.memory_space<hbm>> -> memref<512x64xf32, #tpu.memory_space<hbm>>
      %dma_start3A_42 = arith.constant 0 : i32
      %dma_start3A_43 = arith.constant 0 : i32
      %dma_start3A_44 = tpu.memref_slice %arg2[%select_n3A, %dma_start3A_42, %dma_start3A_43] : memref<8x512x64xf32, #tpu.memory_space<hbm>> -> memref<1x512x64xf32, #tpu.memory_space<hbm>>
      %dma_start3A_45 = tpu.memref_squeeze %dma_start3A_44 : memref<1x512x64xf32, #tpu.memory_space<hbm>> -> memref<512x64xf32, #tpu.memory_space<hbm>>
      tpu.enqueue_dma source(%dma_start3A_45 : memref<512x64xf32, #tpu.memory_space<hbm>>) target(%arg6 : memref<512x64xf32, #tpu.memory_space<vmem>>) target_semaphore(%run_scoped3A : memref<!tpu.dma_semaphore, #tpu.memory_space<semaphore_mem>>)
      %dma_wait3A = arith.constant 0 : i32
      %dma_wait3A_46 = arith.constant 0 : i32
      %dma_wait3A_47 = tpu.memref_slice %arg2[%select_n3A, %dma_wait3A, %dma_wait3A_46] : memref<8x512x64xf32, #tpu.memory_space<hbm>> -> memref<1x512x64xf32, #tpu.memory_space<hbm>>
      %dma_wait3A_48 = tpu.memref_squeeze %dma_wait3A_47 : memref<1x512x64xf32, #tpu.memory_space<hbm>> -> memref<512x64xf32, #tpu.memory_space<hbm>>
      %dma_wait3A_49 = arith.constant 0 : i32
      %dma_wait3A_50 = arith.constant 0 : i32
      %dma_wait3A_51 = tpu.memref_slice %arg2[%select_n3A, %dma_wait3A_49, %dma_wait3A_50] : memref<8x512x64xf32, #tpu.memory_space<hbm>> -> memref<1x512x64xf32, #tpu.memory_space<hbm>>
      %dma_wait3A_52 = tpu.memref_squeeze %dma_wait3A_51 : memref<1x512x64xf32, #tpu.memory_space<hbm>> -> memref<512x64xf32, #tpu.memory_space<hbm>>
      tpu.wait_dma2 semaphore(%run_scoped3A : memref<!tpu.dma_semaphore, #tpu.memory_space<semaphore_mem>>) src(%dma_wait3A_52 : memref<512x64xf32, #tpu.memory_space<hbm>>) dst(%arg6 : memref<512x64xf32, #tpu.memory_space<vmem>>)
      tpu.yield
    }) : () -> ()
    "tpu.region"() ({
      %run_scoped3A = tpu.sem_alloc : memref<!tpu.dma_semaphore, #tpu.memory_space<semaphore_mem>>
      %dma_start3A = arith.constant 0 : i32
      %dma_start3A_39 = tpu.memref_slice %arg3[%select_n3A, %dma_start3A, %mul3A_32] : memref<8x3x16384xi32, #tpu.memory_space<hbm>> -> memref<1x3x4096xi32, #tpu.memory_space<hbm>>
      %dma_start3A_40 = tpu.memref_squeeze %dma_start3A_39 : memref<1x3x4096xi32, #tpu.memory_space<hbm>> -> memref<3x4096xi32, #tpu.memory_space<hbm>>
      %dma_start3A_41 = arith.constant 0 : i32
      %dma_start3A_42 = tpu.memref_slice %arg3[%select_n3A, %dma_start3A_41, %mul3A_32] : memref<8x3x16384xi32, #tpu.memory_space<hbm>> -> memref<1x3x4096xi32, #tpu.memory_space<hbm>>
      %dma_start3A_43 = tpu.memref_squeeze %dma_start3A_42 : memref<1x3x4096xi32, #tpu.memory_space<hbm>> -> memref<3x4096xi32, #tpu.memory_space<hbm>>
      tpu.enqueue_dma source(%dma_start3A_43 : memref<3x4096xi32, #tpu.memory_space<hbm>>) target(%arg7 : memref<3x4096xi32, #tpu.memory_space<vmem>>) target_semaphore(%run_scoped3A : memref<!tpu.dma_semaphore, #tpu.memory_space<semaphore_mem>>)
      %dma_wait3A = arith.constant 0 : i32
      %dma_wait3A_44 = tpu.memref_slice %arg3[%select_n3A, %dma_wait3A, %mul3A_32] : memref<8x3x16384xi32, #tpu.memory_space<hbm>> -> memref<1x3x4096xi32, #tpu.memory_space<hbm>>
      %dma_wait3A_45 = tpu.memref_squeeze %dma_wait3A_44 : memref<1x3x4096xi32, #tpu.memory_space<hbm>> -> memref<3x4096xi32, #tpu.memory_space<hbm>>
      %dma_wait3A_46 = arith.constant 0 : i32
      %dma_wait3A_47 = tpu.memref_slice %arg3[%select_n3A, %dma_wait3A_46, %mul3A_32] : memref<8x3x16384xi32, #tpu.memory_space<hbm>> -> memref<1x3x4096xi32, #tpu.memory_space<hbm>>
      %dma_wait3A_48 = tpu.memref_squeeze %dma_wait3A_47 : memref<1x3x4096xi32, #tpu.memory_space<hbm>> -> memref<3x4096xi32, #tpu.memory_space<hbm>>
      tpu.wait_dma2 semaphore(%run_scoped3A : memref<!tpu.dma_semaphore, #tpu.memory_space<semaphore_mem>>) src(%dma_wait3A_48 : memref<3x4096xi32, #tpu.memory_space<hbm>>) dst(%arg7 : memref<3x4096xi32, #tpu.memory_space<vmem>>)
      tpu.yield
    }) : () -> ()
    "tpu.region"() ({
      %run_scoped3A = tpu.sem_alloc : memref<!tpu.dma_semaphore, #tpu.memory_space<semaphore_mem>>
      %dma_start3A = arith.constant 0 : i32
      %dma_start3A_39 = tpu.memref_slice %arg4[%select_n3A, %dma_start3A, %mul3A_32] : memref<8x3x16384xf32, #tpu.memory_space<hbm>> -> memref<1x3x4096xf32, #tpu.memory_space<hbm>>
      %dma_start3A_40 = tpu.memref_squeeze %dma_start3A_39 : memref<1x3x4096xf32, #tpu.memory_space<hbm>> -> memref<3x4096xf32, #tpu.memory_space<hbm>>
      %dma_start3A_41 = arith.constant 0 : i32
      %dma_start3A_42 = tpu.memref_slice %arg4[%select_n3A, %dma_start3A_41, %mul3A_32] : memref<8x3x16384xf32, #tpu.memory_space<hbm>> -> memref<1x3x4096xf32, #tpu.memory_space<hbm>>
      %dma_start3A_43 = tpu.memref_squeeze %dma_start3A_42 : memref<1x3x4096xf32, #tpu.memory_space<hbm>> -> memref<3x4096xf32, #tpu.memory_space<hbm>>
      tpu.enqueue_dma source(%dma_start3A_43 : memref<3x4096xf32, #tpu.memory_space<hbm>>) target(%arg8 : memref<3x4096xf32, #tpu.memory_space<vmem>>) target_semaphore(%run_scoped3A : memref<!tpu.dma_semaphore, #tpu.memory_space<semaphore_mem>>)
      %dma_wait3A = arith.constant 0 : i32
      %dma_wait3A_44 = tpu.memref_slice %arg4[%select_n3A, %dma_wait3A, %mul3A_32] : memref<8x3x16384xf32, #tpu.memory_space<hbm>> -> memref<1x3x4096xf32, #tpu.memory_space<hbm>>
      %dma_wait3A_45 = tpu.memref_squeeze %dma_wait3A_44 : memref<1x3x4096xf32, #tpu.memory_space<hbm>> -> memref<3x4096xf32, #tpu.memory_space<hbm>>
      %dma_wait3A_46 = arith.constant 0 : i32
      %dma_wait3A_47 = tpu.memref_slice %arg4[%select_n3A, %dma_wait3A_46, %mul3A_32] : memref<8x3x16384xf32, #tpu.memory_space<hbm>> -> memref<1x3x4096xf32, #tpu.memory_space<hbm>>
      %dma_wait3A_48 = tpu.memref_squeeze %dma_wait3A_47 : memref<1x3x4096xf32, #tpu.memory_space<hbm>> -> memref<3x4096xf32, #tpu.memory_space<hbm>>
      tpu.wait_dma2 semaphore(%run_scoped3A : memref<!tpu.dma_semaphore, #tpu.memory_space<semaphore_mem>>) src(%dma_wait3A_48 : memref<3x4096xf32, #tpu.memory_space<hbm>>) dst(%arg8 : memref<3x4096xf32, #tpu.memory_space<vmem>>)
      tpu.yield
    }) : () -> ()
    %scan3A = arith.constant 0 : i32
    %scan3A_33 = arith.constant 0 : i32
    %scan3A_34 = arith.constant 32 : i32
    %scan3A_35 = arith.addi %scan3A_33, %scan3A_34 : i32
    %scan3A_36 = arith.constant 1 : i32
    %scan3A_37 = scf.for %scan3A_39 = %scan3A_33 to %scan3A_35 step %scan3A_36 iter_args(%scan3A_40 = %scan3A) -> (i32)  : i32 {
      %mul3A_41 = arith.constant 128 : i32
      %mul3A_42 = arith.muli %scan3A_39, %mul3A_41 : i32
      %scan3A_43 = arith.constant 0 : i32
      %scan3A_44 = arith.constant 0 : i32
      %scan3A_45 = arith.constant 8 : i32
      %scan3A_46 = arith.addi %scan3A_44, %scan3A_45 : i32
      %scan3A_47 = arith.constant 1 : i32
      %scan3A_48 = scf.for %scan3A_52 = %scan3A_44 to %scan3A_46 step %scan3A_47 iter_args(%scan3A_53 = %scan3A_43) -> (i32)  : i32 {
        %mul3A_54 = arith.constant 16 : i32
        %mul3A_55 = arith.muli %scan3A_52, %mul3A_54 : i32
        %add3A_56 = arith.addi %mul3A_42, %mul3A_55 : i32
        %get3A = arith.constant 0 : i32
        %get3A_57 = arith.index_cast %get3A : i32 to index
        %get3A_58 = arith.index_cast %add3A_56 : i32 to index
        %get3A_59 = tpu.vector_load %arg7[%get3A_57, %get3A_58] {strides = array<i32>} : memref<3x4096xi32, #tpu.memory_space<vmem>>, vector<16xi32>,
        %get3A_60 = arith.constant 1 : i32
        %get3A_61 = arith.index_cast %get3A_60 : i32 to index
        %get3A_62 = arith.index_cast %add3A_56 : i32 to index
        %get3A_63 = tpu.vector_load %arg7[%get3A_61, %get3A_62] {strides = array<i32>} : memref<3x4096xi32, #tpu.memory_space<vmem>>, vector<16xi32>,
        %get3A_64 = arith.constant 2 : i32
        %get3A_65 = arith.index_cast %get3A_64 : i32 to index
        %get3A_66 = arith.index_cast %add3A_56 : i32 to index
        %get3A_67 = tpu.vector_load %arg7[%get3A_65, %get3A_66] {strides = array<i32>} : memref<3x4096xi32, #tpu.memory_space<vmem>>, vector<16xi32>,
        %get3A_68 = arith.constant 0 : i32
        %get3A_69 = arith.index_cast %get3A_68 : i32 to index
        %get3A_70 = arith.index_cast %add3A_56 : i32 to index
        %get3A_71 = tpu.vector_load %arg8[%get3A_69, %get3A_70] {strides = array<i32>} : memref<3x4096xf32, #tpu.memory_space<vmem>>, vector<16xf32>,
        %get3A_72 = arith.constant 1 : i32
        %get3A_73 = arith.index_cast %get3A_72 : i32 to index
        %get3A_74 = arith.index_cast %add3A_56 : i32 to index
        %get3A_75 = tpu.vector_load %arg8[%get3A_73, %get3A_74] {strides = array<i32>} : memref<3x4096xf32, #tpu.memory_space<vmem>>, vector<16xf32>,
        %get3A_76 = arith.constant 2 : i32
        %get3A_77 = arith.index_cast %get3A_76 : i32 to index
        %get3A_78 = arith.index_cast %add3A_56 : i32 to index
        %get3A_79 = tpu.vector_load %arg8[%get3A_77, %get3A_78] {strides = array<i32>} : memref<3x4096xf32, #tpu.memory_space<vmem>>, vector<16xf32>,
        %broadcast_in_dim3A = arith.constant 0 : i32
        %broadcast_in_dim3A_80 = vector.broadcast %broadcast_in_dim3A : i32 to vector<16xi32>
        %gather3A = tpu.vector_load_idx %arg6[%get3A_59, %broadcast_in_dim3A_80] : memref<512x64xf32, #tpu.memory_space<vmem>>[vector<16xi32>, vector<16xi32>], vector<16xf32>,
        %gather3A_81 = tpu.vector_load_idx %arg6[%get3A_63, %broadcast_in_dim3A_80] : memref<512x64xf32, #tpu.memory_space<vmem>>[vector<16xi32>, vector<16xi32>], vector<16xf32>,
        %gather3A_82 = tpu.vector_load_idx %arg6[%get3A_67, %broadcast_in_dim3A_80] : memref<512x64xf32, #tpu.memory_space<vmem>>[vector<16xi32>, vector<16xi32>], vector<16xf32>,
        %mul3A_83 = arith.mulf %gather3A, %get3A_71 : vector<16xf32>
        %mul3A_84 = arith.mulf %gather3A_81, %get3A_75 : vector<16xf32>
        %add3A_85 = arith.addf %mul3A_83, %mul3A_84 : vector<16xf32>
        %mul3A_86 = arith.mulf %gather3A_82, %get3A_79 : vector<16xf32>
        %add3A_87 = arith.addf %add3A_85, %mul3A_86 : vector<16xf32>
        %mul3A_88 = arith.constant 16 : i32
        %mul3A_89 = arith.muli %scan3A_52, %mul3A_88 : i32
        %swap3A = arith.constant 0 : i32
        %swap3A_90 = arith.index_cast %swap3A : i32 to index
        %swap3A_91 = arith.index_cast %mul3A_89 : i32 to index
        %swap3A_92 = tpu.vector_load %arg9[%swap3A_90, %swap3A_91] {strides = array<i32>} : memref<64x128xf32, #tpu.memory_space<vmem>>, vector<16xf32>,
        tpu.vector_store %arg9[%swap3A_90, %swap3A_91], %add3A_87 {strides = array<i32>} : memref<64x128xf32, #tpu.memory_space<vmem>>, vector<16xf32>,
        %broadcast_in_dim3A_93 = arith.constant 1 : i32
        %broadcast_in_dim3A_94 = vector.broadcast %broadcast_in_dim3A_93 : i32 to vector<16xi32>
        %gather3A_95 = tpu.vector_load_idx %arg6[%get3A_59, %broadcast_in_dim3A_94] : memref<512x64xf32, #tpu.memory_space<vmem>>[vector<16xi32>, vector<16xi32>], vector<16xf32>,
        %gather3A_96 = tpu.vector_load_idx %arg6[%get3A_63, %broadcast_in_dim3A_94] : memref<512x64xf32, #tpu.memory_space<vmem>>[vector<16xi32>, vector<16xi32>], vector<16xf32>,
        %gather3A_97 = tpu.vector_load_idx %arg6[%get3A_67, %broadcast_in_dim3A_94] : memref<512x64xf32, #tpu.memory_space<vmem>>[vector<16xi32>, vector<16xi32>], vector<16xf32>,
        %mul3A_98 = arith.mulf %gather3A_95, %get3A_71 : vector<16xf32>
        %mul3A_99 = arith.mulf %gather3A_96, %get3A_75 : vector<16xf32>
        %add3A_100 = arith.addf %mul3A_98, %mul3A_99 : vector<16xf32>
        %mul3A_101 = arith.mulf %gather3A_97, %get3A_79 : vector<16xf32>
        %add3A_102 = arith.addf %add3A_100, %mul3A_101 : vector<16xf32>
        %mul3A_103 = arith.constant 16 : i32
        %mul3A_104 = arith.muli %scan3A_52, %mul3A_103 : i32
        %swap3A_105 = arith.constant 1 : i32
        %swap3A_106 = arith.index_cast %swap3A_105 : i32 to index
        %swap3A_107 = arith.index_cast %mul3A_104 : i32 to index
        %swap3A_108 = tpu.vector_load %arg9[%swap3A_106, %swap3A_107] {strides = array<i32>} : memref<64x128xf32, #tpu.memory_space<vmem>>, vector<16xf32>,
        tpu.vector_store %arg9[%swap3A_106, %swap3A_107], %add3A_102 {strides = array<i32>} : memref<64x128xf32, #tpu.memory_space<vmem>>, vector<16xf32>,
        %broadcast_in_dim3A_109 = arith.constant 2 : i32
        %broadcast_in_dim3A_110 = vector.broadcast %broadcast_in_dim3A_109 : i32 to vector<16xi32>
        %gather3A_111 = tpu.vector_load_idx %arg6[%get3A_59, %broadcast_in_dim3A_110] : memref<512x64xf32, #tpu.memory_space<vmem>>[vector<16xi32>, vector<16xi32>], vector<16xf32>,
        %gather3A_112 = tpu.vector_load_idx %arg6[%get3A_63, %broadcast_in_dim3A_110] : memref<512x64xf32, #tpu.memory_space<vmem>>[vector<16xi32>, vector<16xi32>], vector<16xf32>,
        %gather3A_113 = tpu.vector_load_idx %arg6[%get3A_67, %broadcast_in_dim3A_110] : memref<512x64xf32, #tpu.memory_space<vmem>>[vector<16xi32>, vector<16xi32>], vector<16xf32>,
        %mul3A_114 = arith.mulf %gather3A_111, %get3A_71 : vector<16xf32>
        %mul3A_115 = arith.mulf %gather3A_112, %get3A_75 : vector<16xf32>
        %add3A_116 = arith.addf %mul3A_114, %mul3A_115 : vector<16xf32>
        %mul3A_117 = arith.mulf %gather3A_113, %get3A_79 : vector<16xf32>
        %add3A_118 = arith.addf %add3A_116, %mul3A_117 : vector<16xf32>
        %mul3A_119 = arith.constant 16 : i32
        %mul3A_120 = arith.muli %scan3A_52, %mul3A_119 : i32
        %swap3A_121 = arith.constant 2 : i32
        %swap3A_122 = arith.index_cast %swap3A_121 : i32 to index
        %swap3A_123 = arith.index_cast %mul3A_120 : i32 to index
        %swap3A_124 = tpu.vector_load %arg9[%swap3A_122, %swap3A_123] {strides = array<i32>} : memref<64x128xf32, #tpu.memory_space<vmem>>, vector<16xf32>,
        tpu.vector_store %arg9[%swap3A_122, %swap3A_123], %add3A_118 {strides = array<i32>} : memref<64x128xf32, #tpu.memory_space<vmem>>, vector<16xf32>,
        %broadcast_in_dim3A_125 = arith.constant 3 : i32
        %broadcast_in_dim3A_126 = vector.broadcast %broadcast_in_dim3A_125 : i32 to vector<16xi32>
        %gather3A_127 = tpu.vector_load_idx %arg6[%get3A_59, %broadcast_in_dim3A_126] : memref<512x64xf32, #tpu.memory_space<vmem>>[vector<16xi32>, vector<16xi32>], vector<16xf32>,
        %gather3A_128 = tpu.vector_load_idx %arg6[%get3A_63, %broadcast_in_dim3A_126] : memref<512x64xf32, #tpu.memory_space<vmem>>[vector<16xi32>, vector<16xi32>], vector<16xf32>,
        %gather3A_129 = tpu.vector_load_idx %arg6[%get3A_67, %broadcast_in_dim3A_126] : memref<512x64xf32, #tpu.memory_space<vmem>>[vector<16xi32>, vector<16xi32>], vector<16xf32>,
        %mul3A_130 = arith.mulf %gather3A_127, %get3A_71 : vector<16xf32>
        %mul3A_131 = arith.mulf %gather3A_128, %get3A_75 : vector<16xf32>
        %add3A_132 = arith.addf %mul3A_130, %mul3A_131 : vector<16xf32>
        %mul3A_133 = arith.mulf %gather3A_129, %get3A_79 : vector<16xf32>
        %add3A_134 = arith.addf %add3A_132, %mul3A_133 : vector<16xf32>
        %mul3A_135 = arith.constant 16 : i32
        %mul3A_136 = arith.muli %scan3A_52, %mul3A_135 : i32
        %swap3A_137 = arith.constant 3 : i32
        %swap3A_138 = arith.index_cast %swap3A_137 : i32 to index
        %swap3A_139 = arith.index_cast %mul3A_136 : i32 to index
        %swap3A_140 = tpu.vector_load %arg9[%swap3A_138, %swap3A_139] {strides = array<i32>} : memref<64x128xf32, #tpu.memory_space<vmem>>, vector<16xf32>,
        tpu.vector_store %arg9[%swap3A_138, %swap3A_139], %add3A_134 {strides = array<i32>} : memref<64x128xf32, #tpu.memory_space<vmem>>, vector<16xf32>,
        %broadcast_in_dim3A_141 = arith.constant 4 : i32
        %broadcast_in_dim3A_142 = vector.broadcast %broadcast_in_dim3A_141 : i32 to vector<16xi32>
        %gather3A_143 = tpu.vector_load_idx %arg6[%get3A_59, %broadcast_in_dim3A_142] : memref<512x64xf32, #tpu.memory_space<vmem>>[vector<16xi32>, vector<16xi32>], vector<16xf32>,
        %gather3A_144 = tpu.vector_load_idx %arg6[%get3A_63, %broadcast_in_dim3A_142] : memref<512x64xf32, #tpu.memory_space<vmem>>[vector<16xi32>, vector<16xi32>], vector<16xf32>,
        %gather3A_145 = tpu.vector_load_idx %arg6[%get3A_67, %broadcast_in_dim3A_142] : memref<512x64xf32, #tpu.memory_space<vmem>>[vector<16xi32>, vector<16xi32>], vector<16xf32>,
        %mul3A_146 = arith.mulf %gather3A_143, %get3A_71 : vector<16xf32>
        %mul3A_147 = arith.mulf %gather3A_144, %get3A_75 : vector<16xf32>
        %add3A_148 = arith.addf %mul3A_146, %mul3A_147 : vector<16xf32>
        %mul3A_149 = arith.mulf %gather3A_145, %get3A_79 : vector<16xf32>
        %add3A_150 = arith.addf %add3A_148, %mul3A_149 : vector<16xf32>
        %mul3A_151 = arith.constant 16 : i32
        %mul3A_152 = arith.muli %scan3A_52, %mul3A_151 : i32
        %swap3A_153 = arith.constant 4 : i32
        %swap3A_154 = arith.index_cast %swap3A_153 : i32 to index
        %swap3A_155 = arith.index_cast %mul3A_152 : i32 to index
        %swap3A_156 = tpu.vector_load %arg9[%swap3A_154, %swap3A_155] {strides = array<i32>} : memref<64x128xf32, #tpu.memory_space<vmem>>, vector<16xf32>,
        tpu.vector_store %arg9[%swap3A_154, %swap3A_155], %add3A_150 {strides = array<i32>} : memref<64x128xf32, #tpu.memory_space<vmem>>, vector<16xf32>,
        %broadcast_in_dim3A_157 = arith.constant 5 : i32
        %broadcast_in_dim3A_158 = vector.broadcast %broadcast_in_dim3A_157 : i32 to vector<16xi32>
        %gather3A_159 = tpu.vector_load_idx %arg6[%get3A_59, %broadcast_in_dim3A_158] : memref<512x64xf32, #tpu.memory_space<vmem>>[vector<16xi32>, vector<16xi32>], vector<16xf32>,
        %gather3A_160 = tpu.vector_load_idx %arg6[%get3A_63, %broadcast_in_dim3A_158] : memref<512x64xf32, #tpu.memory_space<vmem>>[vector<16xi32>, vector<16xi32>], vector<16xf32>,
        %gather3A_161 = tpu.vector_load_idx %arg6[%get3A_67, %broadcast_in_dim3A_158] : memref<512x64xf32, #tpu.memory_space<vmem>>[vector<16xi32>, vector<16xi32>], vector<16xf32>,
        %mul3A_162 = arith.mulf %gather3A_159, %get3A_71 : vector<16xf32>
        %mul3A_163 = arith.mulf %gather3A_160, %get3A_75 : vector<16xf32>
        %add3A_164 = arith.addf %mul3A_162, %mul3A_163 : vector<16xf32>
        %mul3A_165 = arith.mulf %gather3A_161, %get3A_79 : vector<16xf32>
        %add3A_166 = arith.addf %add3A_164, %mul3A_165 : vector<16xf32>
        %mul3A_167 = arith.constant 16 : i32
        %mul3A_168 = arith.muli %scan3A_52, %mul3A_167 : i32
        %swap3A_169 = arith.constant 5 : i32
        %swap3A_170 = arith.index_cast %swap3A_169 : i32 to index
        %swap3A_171 = arith.index_cast %mul3A_168 : i32 to index
        %swap3A_172 = tpu.vector_load %arg9[%swap3A_170, %swap3A_171] {strides = array<i32>} : memref<64x128xf32, #tpu.memory_space<vmem>>, vector<16xf32>,
        tpu.vector_store %arg9[%swap3A_170, %swap3A_171], %add3A_166 {strides = array<i32>} : memref<64x128xf32, #tpu.memory_space<vmem>>, vector<16xf32>,
        %broadcast_in_dim3A_173 = arith.constant 6 : i32
        %broadcast_in_dim3A_174 = vector.broadcast %broadcast_in_dim3A_173 : i32 to vector<16xi32>
        %gather3A_175 = tpu.vector_load_idx %arg6[%get3A_59, %broadcast_in_dim3A_174] : memref<512x64xf32, #tpu.memory_space<vmem>>[vector<16xi32>, vector<16xi32>], vector<16xf32>,
        %gather3A_176 = tpu.vector_load_idx %arg6[%get3A_63, %broadcast_in_dim3A_174] : memref<512x64xf32, #tpu.memory_space<vmem>>[vector<16xi32>, vector<16xi32>], vector<16xf32>,
        %gather3A_177 = tpu.vector_load_idx %arg6[%get3A_67, %broadcast_in_dim3A_174] : memref<512x64xf32, #tpu.memory_space<vmem>>[vector<16xi32>, vector<16xi32>], vector<16xf32>,
        %mul3A_178 = arith.mulf %gather3A_175, %get3A_71 : vector<16xf32>
        %mul3A_179 = arith.mulf %gather3A_176, %get3A_75 : vector<16xf32>
        %add3A_180 = arith.addf %mul3A_178, %mul3A_179 : vector<16xf32>
        %mul3A_181 = arith.mulf %gather3A_177, %get3A_79 : vector<16xf32>
        %add3A_182 = arith.addf %add3A_180, %mul3A_181 : vector<16xf32>
        %mul3A_183 = arith.constant 16 : i32
        %mul3A_184 = arith.muli %scan3A_52, %mul3A_183 : i32
        %swap3A_185 = arith.constant 6 : i32
        %swap3A_186 = arith.index_cast %swap3A_185 : i32 to index
        %swap3A_187 = arith.index_cast %mul3A_184 : i32 to index
        %swap3A_188 = tpu.vector_load %arg9[%swap3A_186, %swap3A_187] {strides = array<i32>} : memref<64x128xf32, #tpu.memory_space<vmem>>, vector<16xf32>,
        tpu.vector_store %arg9[%swap3A_186, %swap3A_187], %add3A_182 {strides = array<i32>} : memref<64x128xf32, #tpu.memory_space<vmem>>, vector<16xf32>,
        %broadcast_in_dim3A_189 = arith.constant 7 : i32
        %broadcast_in_dim3A_190 = vector.broadcast %broadcast_in_dim3A_189 : i32 to vector<16xi32>
        %gather3A_191 = tpu.vector_load_idx %arg6[%get3A_59, %broadcast_in_dim3A_190] : memref<512x64xf32, #tpu.memory_space<vmem>>[vector<16xi32>, vector<16xi32>], vector<16xf32>,
        %gather3A_192 = tpu.vector_load_idx %arg6[%get3A_63, %broadcast_in_dim3A_190] : memref<512x64xf32, #tpu.memory_space<vmem>>[vector<16xi32>, vector<16xi32>], vector<16xf32>,
        %gather3A_193 = tpu.vector_load_idx %arg6[%get3A_67, %broadcast_in_dim3A_190] : memref<512x64xf32, #tpu.memory_space<vmem>>[vector<16xi32>, vector<16xi32>], vector<16xf32>,
        %mul3A_194 = arith.mulf %gather3A_191, %get3A_71 : vector<16xf32>
        %mul3A_195 = arith.mulf %gather3A_192, %get3A_75 : vector<16xf32>
        %add3A_196 = arith.addf %mul3A_194, %mul3A_195 : vector<16xf32>
        %mul3A_197 = arith.mulf %gather3A_193, %get3A_79 : vector<16xf32>
        %add3A_198 = arith.addf %add3A_196, %mul3A_197 : vector<16xf32>
        %mul3A_199 = arith.constant 16 : i32
        %mul3A_200 = arith.muli %scan3A_52, %mul3A_199 : i32
        %swap3A_201 = arith.constant 7 : i32
        %swap3A_202 = arith.index_cast %swap3A_201 : i32 to index
        %swap3A_203 = arith.index_cast %mul3A_200 : i32 to index
        %swap3A_204 = tpu.vector_load %arg9[%swap3A_202, %swap3A_203] {strides = array<i32>} : memref<64x128xf32, #tpu.memory_space<vmem>>, vector<16xf32>,
        tpu.vector_store %arg9[%swap3A_202, %swap3A_203], %add3A_198 {strides = array<i32>} : memref<64x128xf32, #tpu.memory_space<vmem>>, vector<16xf32>,
        %broadcast_in_dim3A_205 = arith.constant 8 : i32
        %broadcast_in_dim3A_206 = vector.broadcast %broadcast_in_dim3A_205 : i32 to vector<16xi32>
        %gather3A_207 = tpu.vector_load_idx %arg6[%get3A_59, %broadcast_in_dim3A_206] : memref<512x64xf32, #tpu.memory_space<vmem>>[vector<16xi32>, vector<16xi32>], vector<16xf32>,
        %gather3A_208 = tpu.vector_load_idx %arg6[%get3A_63, %broadcast_in_dim3A_206] : memref<512x64xf32, #tpu.memory_space<vmem>>[vector<16xi32>, vector<16xi32>], vector<16xf32>,
        %gather3A_209 = tpu.vector_load_idx %arg6[%get3A_67, %broadcast_in_dim3A_206] : memref<512x64xf32, #tpu.memory_space<vmem>>[vector<16xi32>, vector<16xi32>], vector<16xf32>,
        %mul3A_210 = arith.mulf %gather3A_207, %get3A_71 : vector<16xf32>
        %mul3A_211 = arith.mulf %gather3A_208, %get3A_75 : vector<16xf32>
        %add3A_212 = arith.addf %mul3A_210, %mul3A_211 : vector<16xf32>
        %mul3A_213 = arith.mulf %gather3A_209, %get3A_79 : vector<16xf32>
        %add3A_214 = arith.addf %add3A_212, %mul3A_213 : vector<16xf32>
        %mul3A_215 = arith.constant 16 : i32
        %mul3A_216 = arith.muli %scan3A_52, %mul3A_215 : i32
        %swap3A_217 = arith.constant 8 : i32
        %swap3A_218 = arith.index_cast %swap3A_217 : i32 to index
        %swap3A_219 = arith.index_cast %mul3A_216 : i32 to index
        %swap3A_220 = tpu.vector_load %arg9[%swap3A_218, %swap3A_219] {strides = array<i32>} : memref<64x128xf32, #tpu.memory_space<vmem>>, vector<16xf32>,
        tpu.vector_store %arg9[%swap3A_218, %swap3A_219], %add3A_214 {strides = array<i32>} : memref<64x128xf32, #tpu.memory_space<vmem>>, vector<16xf32>,
        %broadcast_in_dim3A_221 = arith.constant 9 : i32
        %broadcast_in_dim3A_222 = vector.broadcast %broadcast_in_dim3A_221 : i32 to vector<16xi32>
        %gather3A_223 = tpu.vector_load_idx %arg6[%get3A_59, %broadcast_in_dim3A_222] : memref<512x64xf32, #tpu.memory_space<vmem>>[vector<16xi32>, vector<16xi32>], vector<16xf32>,
        %gather3A_224 = tpu.vector_load_idx %arg6[%get3A_63, %broadcast_in_dim3A_222] : memref<512x64xf32, #tpu.memory_space<vmem>>[vector<16xi32>, vector<16xi32>], vector<16xf32>,
        %gather3A_225 = tpu.vector_load_idx %arg6[%get3A_67, %broadcast_in_dim3A_222] : memref<512x64xf32, #tpu.memory_space<vmem>>[vector<16xi32>, vector<16xi32>], vector<16xf32>,
        %mul3A_226 = arith.mulf %gather3A_223, %get3A_71 : vector<16xf32>
        %mul3A_227 = arith.mulf %gather3A_224, %get3A_75 : vector<16xf32>
        %add3A_228 = arith.addf %mul3A_226, %mul3A_227 : vector<16xf32>
        %mul3A_229 = arith.mulf %gather3A_225, %get3A_79 : vector<16xf32>
        %add3A_230 = arith.addf %add3A_228, %mul3A_229 : vector<16xf32>
        %mul3A_231 = arith.constant 16 : i32
        %mul3A_232 = arith.muli %scan3A_52, %mul3A_231 : i32
        %swap3A_233 = arith.constant 9 : i32
        %swap3A_234 = arith.index_cast %swap3A_233 : i32 to index
        %swap3A_235 = arith.index_cast %mul3A_232 : i32 to index
        %swap3A_236 = tpu.vector_load %arg9[%swap3A_234, %swap3A_235] {strides = array<i32>} : memref<64x128xf32, #tpu.memory_space<vmem>>, vector<16xf32>,
        tpu.vector_store %arg9[%swap3A_234, %swap3A_235], %add3A_230 {strides = array<i32>} : memref<64x128xf32, #tpu.memory_space<vmem>>, vector<16xf32>,
        %broadcast_in_dim3A_237 = arith.constant 10 : i32
        %broadcast_in_dim3A_238 = vector.broadcast %broadcast_in_dim3A_237 : i32 to vector<16xi32>
        %gather3A_239 = tpu.vector_load_idx %arg6[%get3A_59, %broadcast_in_dim3A_238] : memref<512x64xf32, #tpu.memory_space<vmem>>[vector<16xi32>, vector<16xi32>], vector<16xf32>,
        %gather3A_240 = tpu.vector_load_idx %arg6[%get3A_63, %broadcast_in_dim3A_238] : memref<512x64xf32, #tpu.memory_space<vmem>>[vector<16xi32>, vector<16xi32>], vector<16xf32>,
        %gather3A_241 = tpu.vector_load_idx %arg6[%get3A_67, %broadcast_in_dim3A_238] : memref<512x64xf32, #tpu.memory_space<vmem>>[vector<16xi32>, vector<16xi32>], vector<16xf32>,
        %mul3A_242 = arith.mulf %gather3A_239, %get3A_71 : vector<16xf32>
        %mul3A_243 = arith.mulf %gather3A_240, %get3A_75 : vector<16xf32>
        %add3A_244 = arith.addf %mul3A_242, %mul3A_243 : vector<16xf32>
        %mul3A_245 = arith.mulf %gather3A_241, %get3A_79 : vector<16xf32>
        %add3A_246 = arith.addf %add3A_244, %mul3A_245 : vector<16xf32>
        %mul3A_247 = arith.constant 16 : i32
        %mul3A_248 = arith.muli %scan3A_52, %mul3A_247 : i32
        %swap3A_249 = arith.constant 10 : i32
        %swap3A_250 = arith.index_cast %swap3A_249 : i32 to index
        %swap3A_251 = arith.index_cast %mul3A_248 : i32 to index
        %swap3A_252 = tpu.vector_load %arg9[%swap3A_250, %swap3A_251] {strides = array<i32>} : memref<64x128xf32, #tpu.memory_space<vmem>>, vector<16xf32>,
        tpu.vector_store %arg9[%swap3A_250, %swap3A_251], %add3A_246 {strides = array<i32>} : memref<64x128xf32, #tpu.memory_space<vmem>>, vector<16xf32>,
        %broadcast_in_dim3A_253 = arith.constant 11 : i32
        %broadcast_in_dim3A_254 = vector.broadcast %broadcast_in_dim3A_253 : i32 to vector<16xi32>
        %gather3A_255 = tpu.vector_load_idx %arg6[%get3A_59, %broadcast_in_dim3A_254] : memref<512x64xf32, #tpu.memory_space<vmem>>[vector<16xi32>, vector<16xi32>], vector<16xf32>,
        %gather3A_256 = tpu.vector_load_idx %arg6[%get3A_63, %broadcast_in_dim3A_254] : memref<512x64xf32, #tpu.memory_space<vmem>>[vector<16xi32>, vector<16xi32>], vector<16xf32>,
        %gather3A_257 = tpu.vector_load_idx %arg6[%get3A_67, %broadcast_in_dim3A_254] : memref<512x64xf32, #tpu.memory_space<vmem>>[vector<16xi32>, vector<16xi32>], vector<16xf32>,
        %mul3A_258 = arith.mulf %gather3A_255, %get3A_71 : vector<16xf32>
        %mul3A_259 = arith.mulf %gather3A_256, %get3A_75 : vector<16xf32>
        %add3A_260 = arith.addf %mul3A_258, %mul3A_259 : vector<16xf32>
        %mul3A_261 = arith.mulf %gather3A_257, %get3A_79 : vector<16xf32>
        %add3A_262 = arith.addf %add3A_260, %mul3A_261 : vector<16xf32>
        %mul3A_263 = arith.constant 16 : i32
        %mul3A_264 = arith.muli %scan3A_52, %mul3A_263 : i32
        %swap3A_265 = arith.constant 11 : i32
        %swap3A_266 = arith.index_cast %swap3A_265 : i32 to index
        %swap3A_267 = arith.index_cast %mul3A_264 : i32 to index
        %swap3A_268 = tpu.vector_load %arg9[%swap3A_266, %swap3A_267] {strides = array<i32>} : memref<64x128xf32, #tpu.memory_space<vmem>>, vector<16xf32>,
        tpu.vector_store %arg9[%swap3A_266, %swap3A_267], %add3A_262 {strides = array<i32>} : memref<64x128xf32, #tpu.memory_space<vmem>>, vector<16xf32>,
        %broadcast_in_dim3A_269 = arith.constant 12 : i32
        %broadcast_in_dim3A_270 = vector.broadcast %broadcast_in_dim3A_269 : i32 to vector<16xi32>
        %gather3A_271 = tpu.vector_load_idx %arg6[%get3A_59, %broadcast_in_dim3A_270] : memref<512x64xf32, #tpu.memory_space<vmem>>[vector<16xi32>, vector<16xi32>], vector<16xf32>,
        %gather3A_272 = tpu.vector_load_idx %arg6[%get3A_63, %broadcast_in_dim3A_270] : memref<512x64xf32, #tpu.memory_space<vmem>>[vector<16xi32>, vector<16xi32>], vector<16xf32>,
        %gather3A_273 = tpu.vector_load_idx %arg6[%get3A_67, %broadcast_in_dim3A_270] : memref<512x64xf32, #tpu.memory_space<vmem>>[vector<16xi32>, vector<16xi32>], vector<16xf32>,
        %mul3A_274 = arith.mulf %gather3A_271, %get3A_71 : vector<16xf32>
        %mul3A_275 = arith.mulf %gather3A_272, %get3A_75 : vector<16xf32>
        %add3A_276 = arith.addf %mul3A_274, %mul3A_275 : vector<16xf32>
        %mul3A_277 = arith.mulf %gather3A_273, %get3A_79 : vector<16xf32>
        %add3A_278 = arith.addf %add3A_276, %mul3A_277 : vector<16xf32>
        %mul3A_279 = arith.constant 16 : i32
        %mul3A_280 = arith.muli %scan3A_52, %mul3A_279 : i32
        %swap3A_281 = arith.constant 12 : i32
        %swap3A_282 = arith.index_cast %swap3A_281 : i32 to index
        %swap3A_283 = arith.index_cast %mul3A_280 : i32 to index
        %swap3A_284 = tpu.vector_load %arg9[%swap3A_282, %swap3A_283] {strides = array<i32>} : memref<64x128xf32, #tpu.memory_space<vmem>>, vector<16xf32>,
        tpu.vector_store %arg9[%swap3A_282, %swap3A_283], %add3A_278 {strides = array<i32>} : memref<64x128xf32, #tpu.memory_space<vmem>>, vector<16xf32>,
        %broadcast_in_dim3A_285 = arith.constant 13 : i32
        %broadcast_in_dim3A_286 = vector.broadcast %broadcast_in_dim3A_285 : i32 to vector<16xi32>
        %gather3A_287 = tpu.vector_load_idx %arg6[%get3A_59, %broadcast_in_dim3A_286] : memref<512x64xf32, #tpu.memory_space<vmem>>[vector<16xi32>, vector<16xi32>], vector<16xf32>,
        %gather3A_288 = tpu.vector_load_idx %arg6[%get3A_63, %broadcast_in_dim3A_286] : memref<512x64xf32, #tpu.memory_space<vmem>>[vector<16xi32>, vector<16xi32>], vector<16xf32>,
        %gather3A_289 = tpu.vector_load_idx %arg6[%get3A_67, %broadcast_in_dim3A_286] : memref<512x64xf32, #tpu.memory_space<vmem>>[vector<16xi32>, vector<16xi32>], vector<16xf32>,
        %mul3A_290 = arith.mulf %gather3A_287, %get3A_71 : vector<16xf32>
        %mul3A_291 = arith.mulf %gather3A_288, %get3A_75 : vector<16xf32>
        %add3A_292 = arith.addf %mul3A_290, %mul3A_291 : vector<16xf32>
        %mul3A_293 = arith.mulf %gather3A_289, %get3A_79 : vector<16xf32>
        %add3A_294 = arith.addf %add3A_292, %mul3A_293 : vector<16xf32>
        %mul3A_295 = arith.constant 16 : i32
        %mul3A_296 = arith.muli %scan3A_52, %mul3A_295 : i32
        %swap3A_297 = arith.constant 13 : i32
        %swap3A_298 = arith.index_cast %swap3A_297 : i32 to index
        %swap3A_299 = arith.index_cast %mul3A_296 : i32 to index
        %swap3A_300 = tpu.vector_load %arg9[%swap3A_298, %swap3A_299] {strides = array<i32>} : memref<64x128xf32, #tpu.memory_space<vmem>>, vector<16xf32>,
        tpu.vector_store %arg9[%swap3A_298, %swap3A_299], %add3A_294 {strides = array<i32>} : memref<64x128xf32, #tpu.memory_space<vmem>>, vector<16xf32>,
        %broadcast_in_dim3A_301 = arith.constant 14 : i32
        %broadcast_in_dim3A_302 = vector.broadcast %broadcast_in_dim3A_301 : i32 to vector<16xi32>
        %gather3A_303 = tpu.vector_load_idx %arg6[%get3A_59, %broadcast_in_dim3A_302] : memref<512x64xf32, #tpu.memory_space<vmem>>[vector<16xi32>, vector<16xi32>], vector<16xf32>,
        %gather3A_304 = tpu.vector_load_idx %arg6[%get3A_63, %broadcast_in_dim3A_302] : memref<512x64xf32, #tpu.memory_space<vmem>>[vector<16xi32>, vector<16xi32>], vector<16xf32>,
        %gather3A_305 = tpu.vector_load_idx %arg6[%get3A_67, %broadcast_in_dim3A_302] : memref<512x64xf32, #tpu.memory_space<vmem>>[vector<16xi32>, vector<16xi32>], vector<16xf32>,
        %mul3A_306 = arith.mulf %gather3A_303, %get3A_71 : vector<16xf32>
        %mul3A_307 = arith.mulf %gather3A_304, %get3A_75 : vector<16xf32>
        %add3A_308 = arith.addf %mul3A_306, %mul3A_307 : vector<16xf32>
        %mul3A_309 = arith.mulf %gather3A_305, %get3A_79 : vector<16xf32>
        %add3A_310 = arith.addf %add3A_308, %mul3A_309 : vector<16xf32>
        %mul3A_311 = arith.constant 16 : i32
        %mul3A_312 = arith.muli %scan3A_52, %mul3A_311 : i32
        %swap3A_313 = arith.constant 14 : i32
        %swap3A_314 = arith.index_cast %swap3A_313 : i32 to index
        %swap3A_315 = arith.index_cast %mul3A_312 : i32 to index
        %swap3A_316 = tpu.vector_load %arg9[%swap3A_314, %swap3A_315] {strides = array<i32>} : memref<64x128xf32, #tpu.memory_space<vmem>>, vector<16xf32>,
        tpu.vector_store %arg9[%swap3A_314, %swap3A_315], %add3A_310 {strides = array<i32>} : memref<64x128xf32, #tpu.memory_space<vmem>>, vector<16xf32>,
        %broadcast_in_dim3A_317 = arith.constant 15 : i32
        %broadcast_in_dim3A_318 = vector.broadcast %broadcast_in_dim3A_317 : i32 to vector<16xi32>
        %gather3A_319 = tpu.vector_load_idx %arg6[%get3A_59, %broadcast_in_dim3A_318] : memref<512x64xf32, #tpu.memory_space<vmem>>[vector<16xi32>, vector<16xi32>], vector<16xf32>,
        %gather3A_320 = tpu.vector_load_idx %arg6[%get3A_63, %broadcast_in_dim3A_318] : memref<512x64xf32, #tpu.memory_space<vmem>>[vector<16xi32>, vector<16xi32>], vector<16xf32>,
        %gather3A_321 = tpu.vector_load_idx %arg6[%get3A_67, %broadcast_in_dim3A_318] : memref<512x64xf32, #tpu.memory_space<vmem>>[vector<16xi32>, vector<16xi32>], vector<16xf32>,
        %mul3A_322 = arith.mulf %gather3A_319, %get3A_71 : vector<16xf32>
        %mul3A_323 = arith.mulf %gather3A_320, %get3A_75 : vector<16xf32>
        %add3A_324 = arith.addf %mul3A_322, %mul3A_323 : vector<16xf32>
        %mul3A_325 = arith.mulf %gather3A_321, %get3A_79 : vector<16xf32>
        %add3A_326 = arith.addf %add3A_324, %mul3A_325 : vector<16xf32>
        %mul3A_327 = arith.constant 16 : i32
        %mul3A_328 = arith.muli %scan3A_52, %mul3A_327 : i32
        %swap3A_329 = arith.constant 15 : i32
        %swap3A_330 = arith.index_cast %swap3A_329 : i32 to index
        %swap3A_331 = arith.index_cast %mul3A_328 : i32 to index
        %swap3A_332 = tpu.vector_load %arg9[%swap3A_330, %swap3A_331] {strides = array<i32>} : memref<64x128xf32, #tpu.memory_space<vmem>>, vector<16xf32>,
        tpu.vector_store %arg9[%swap3A_330, %swap3A_331], %add3A_326 {strides = array<i32>} : memref<64x128xf32, #tpu.memory_space<vmem>>, vector<16xf32>,
        %broadcast_in_dim3A_333 = arith.constant 16 : i32
        %broadcast_in_dim3A_334 = vector.broadcast %broadcast_in_dim3A_333 : i32 to vector<16xi32>
        %gather3A_335 = tpu.vector_load_idx %arg6[%get3A_59, %broadcast_in_dim3A_334] : memref<512x64xf32, #tpu.memory_space<vmem>>[vector<16xi32>, vector<16xi32>], vector<16xf32>,
        %gather3A_336 = tpu.vector_load_idx %arg6[%get3A_63, %broadcast_in_dim3A_334] : memref<512x64xf32, #tpu.memory_space<vmem>>[vector<16xi32>, vector<16xi32>], vector<16xf32>,
        %gather3A_337 = tpu.vector_load_idx %arg6[%get3A_67, %broadcast_in_dim3A_334] : memref<512x64xf32, #tpu.memory_space<vmem>>[vector<16xi32>, vector<16xi32>], vector<16xf32>,
        %mul3A_338 = arith.mulf %gather3A_335, %get3A_71 : vector<16xf32>
        %mul3A_339 = arith.mulf %gather3A_336, %get3A_75 : vector<16xf32>
        %add3A_340 = arith.addf %mul3A_338, %mul3A_339 : vector<16xf32>
        %mul3A_341 = arith.mulf %gather3A_337, %get3A_79 : vector<16xf32>
        %add3A_342 = arith.addf %add3A_340, %mul3A_341 : vector<16xf32>
        %mul3A_343 = arith.constant 16 : i32
        %mul3A_344 = arith.muli %scan3A_52, %mul3A_343 : i32
        %swap3A_345 = arith.constant 16 : i32
        %swap3A_346 = arith.index_cast %swap3A_345 : i32 to index
        %swap3A_347 = arith.index_cast %mul3A_344 : i32 to index
        %swap3A_348 = tpu.vector_load %arg9[%swap3A_346, %swap3A_347] {strides = array<i32>} : memref<64x128xf32, #tpu.memory_space<vmem>>, vector<16xf32>,
        tpu.vector_store %arg9[%swap3A_346, %swap3A_347], %add3A_342 {strides = array<i32>} : memref<64x128xf32, #tpu.memory_space<vmem>>, vector<16xf32>,
        %broadcast_in_dim3A_349 = arith.constant 17 : i32
        %broadcast_in_dim3A_350 = vector.broadcast %broadcast_in_dim3A_349 : i32 to vector<16xi32>
        %gather3A_351 = tpu.vector_load_idx %arg6[%get3A_59, %broadcast_in_dim3A_350] : memref<512x64xf32, #tpu.memory_space<vmem>>[vector<16xi32>, vector<16xi32>], vector<16xf32>,
        %gather3A_352 = tpu.vector_load_idx %arg6[%get3A_63, %broadcast_in_dim3A_350] : memref<512x64xf32, #tpu.memory_space<vmem>>[vector<16xi32>, vector<16xi32>], vector<16xf32>,
        %gather3A_353 = tpu.vector_load_idx %arg6[%get3A_67, %broadcast_in_dim3A_350] : memref<512x64xf32, #tpu.memory_space<vmem>>[vector<16xi32>, vector<16xi32>], vector<16xf32>,
        %mul3A_354 = arith.mulf %gather3A_351, %get3A_71 : vector<16xf32>
        %mul3A_355 = arith.mulf %gather3A_352, %get3A_75 : vector<16xf32>
        %add3A_356 = arith.addf %mul3A_354, %mul3A_355 : vector<16xf32>
        %mul3A_357 = arith.mulf %gather3A_353, %get3A_79 : vector<16xf32>
        %add3A_358 = arith.addf %add3A_356, %mul3A_357 : vector<16xf32>
        %mul3A_359 = arith.constant 16 : i32
        %mul3A_360 = arith.muli %scan3A_52, %mul3A_359 : i32
        %swap3A_361 = arith.constant 17 : i32
        %swap3A_362 = arith.index_cast %swap3A_361 : i32 to index
        %swap3A_363 = arith.index_cast %mul3A_360 : i32 to index
        %swap3A_364 = tpu.vector_load %arg9[%swap3A_362, %swap3A_363] {strides = array<i32>} : memref<64x128xf32, #tpu.memory_space<vmem>>, vector<16xf32>,
        tpu.vector_store %arg9[%swap3A_362, %swap3A_363], %add3A_358 {strides = array<i32>} : memref<64x128xf32, #tpu.memory_space<vmem>>, vector<16xf32>,
        %broadcast_in_dim3A_365 = arith.constant 18 : i32
        %broadcast_in_dim3A_366 = vector.broadcast %broadcast_in_dim3A_365 : i32 to vector<16xi32>
        %gather3A_367 = tpu.vector_load_idx %arg6[%get3A_59, %broadcast_in_dim3A_366] : memref<512x64xf32, #tpu.memory_space<vmem>>[vector<16xi32>, vector<16xi32>], vector<16xf32>,
        %gather3A_368 = tpu.vector_load_idx %arg6[%get3A_63, %broadcast_in_dim3A_366] : memref<512x64xf32, #tpu.memory_space<vmem>>[vector<16xi32>, vector<16xi32>], vector<16xf32>,
        %gather3A_369 = tpu.vector_load_idx %arg6[%get3A_67, %broadcast_in_dim3A_366] : memref<512x64xf32, #tpu.memory_space<vmem>>[vector<16xi32>, vector<16xi32>], vector<16xf32>,
        %mul3A_370 = arith.mulf %gather3A_367, %get3A_71 : vector<16xf32>
        %mul3A_371 = arith.mulf %gather3A_368, %get3A_75 : vector<16xf32>
        %add3A_372 = arith.addf %mul3A_370, %mul3A_371 : vector<16xf32>
        %mul3A_373 = arith.mulf %gather3A_369, %get3A_79 : vector<16xf32>
        %add3A_374 = arith.addf %add3A_372, %mul3A_373 : vector<16xf32>
        %mul3A_375 = arith.constant 16 : i32
        %mul3A_376 = arith.muli %scan3A_52, %mul3A_375 : i32
        %swap3A_377 = arith.constant 18 : i32
        %swap3A_378 = arith.index_cast %swap3A_377 : i32 to index
        %swap3A_379 = arith.index_cast %mul3A_376 : i32 to index
        %swap3A_380 = tpu.vector_load %arg9[%swap3A_378, %swap3A_379] {strides = array<i32>} : memref<64x128xf32, #tpu.memory_space<vmem>>, vector<16xf32>,
        tpu.vector_store %arg9[%swap3A_378, %swap3A_379], %add3A_374 {strides = array<i32>} : memref<64x128xf32, #tpu.memory_space<vmem>>, vector<16xf32>,
        %broadcast_in_dim3A_381 = arith.constant 19 : i32
        %broadcast_in_dim3A_382 = vector.broadcast %broadcast_in_dim3A_381 : i32 to vector<16xi32>
        %gather3A_383 = tpu.vector_load_idx %arg6[%get3A_59, %broadcast_in_dim3A_382] : memref<512x64xf32, #tpu.memory_space<vmem>>[vector<16xi32>, vector<16xi32>], vector<16xf32>,
        %gather3A_384 = tpu.vector_load_idx %arg6[%get3A_63, %broadcast_in_dim3A_382] : memref<512x64xf32, #tpu.memory_space<vmem>>[vector<16xi32>, vector<16xi32>], vector<16xf32>,
        %gather3A_385 = tpu.vector_load_idx %arg6[%get3A_67, %broadcast_in_dim3A_382] : memref<512x64xf32, #tpu.memory_space<vmem>>[vector<16xi32>, vector<16xi32>], vector<16xf32>,
        %mul3A_386 = arith.mulf %gather3A_383, %get3A_71 : vector<16xf32>
        %mul3A_387 = arith.mulf %gather3A_384, %get3A_75 : vector<16xf32>
        %add3A_388 = arith.addf %mul3A_386, %mul3A_387 : vector<16xf32>
        %mul3A_389 = arith.mulf %gather3A_385, %get3A_79 : vector<16xf32>
        %add3A_390 = arith.addf %add3A_388, %mul3A_389 : vector<16xf32>
        %mul3A_391 = arith.constant 16 : i32
        %mul3A_392 = arith.muli %scan3A_52, %mul3A_391 : i32
        %swap3A_393 = arith.constant 19 : i32
        %swap3A_394 = arith.index_cast %swap3A_393 : i32 to index
        %swap3A_395 = arith.index_cast %mul3A_392 : i32 to index
        %swap3A_396 = tpu.vector_load %arg9[%swap3A_394, %swap3A_395] {strides = array<i32>} : memref<64x128xf32, #tpu.memory_space<vmem>>, vector<16xf32>,
        tpu.vector_store %arg9[%swap3A_394, %swap3A_395], %add3A_390 {strides = array<i32>} : memref<64x128xf32, #tpu.memory_space<vmem>>, vector<16xf32>,
        %broadcast_in_dim3A_397 = arith.constant 20 : i32
        %broadcast_in_dim3A_398 = vector.broadcast %broadcast_in_dim3A_397 : i32 to vector<16xi32>
        %gather3A_399 = tpu.vector_load_idx %arg6[%get3A_59, %broadcast_in_dim3A_398] : memref<512x64xf32, #tpu.memory_space<vmem>>[vector<16xi32>, vector<16xi32>], vector<16xf32>,
        %gather3A_400 = tpu.vector_load_idx %arg6[%get3A_63, %broadcast_in_dim3A_398] : memref<512x64xf32, #tpu.memory_space<vmem>>[vector<16xi32>, vector<16xi32>], vector<16xf32>,
        %gather3A_401 = tpu.vector_load_idx %arg6[%get3A_67, %broadcast_in_dim3A_398] : memref<512x64xf32, #tpu.memory_space<vmem>>[vector<16xi32>, vector<16xi32>], vector<16xf32>,
        %mul3A_402 = arith.mulf %gather3A_399, %get3A_71 : vector<16xf32>
        %mul3A_403 = arith.mulf %gather3A_400, %get3A_75 : vector<16xf32>
        %add3A_404 = arith.addf %mul3A_402, %mul3A_403 : vector<16xf32>
        %mul3A_405 = arith.mulf %gather3A_401, %get3A_79 : vector<16xf32>
        %add3A_406 = arith.addf %add3A_404, %mul3A_405 : vector<16xf32>
        %mul3A_407 = arith.constant 16 : i32
        %mul3A_408 = arith.muli %scan3A_52, %mul3A_407 : i32
        %swap3A_409 = arith.constant 20 : i32
        %swap3A_410 = arith.index_cast %swap3A_409 : i32 to index
        %swap3A_411 = arith.index_cast %mul3A_408 : i32 to index
        %swap3A_412 = tpu.vector_load %arg9[%swap3A_410, %swap3A_411] {strides = array<i32>} : memref<64x128xf32, #tpu.memory_space<vmem>>, vector<16xf32>,
        tpu.vector_store %arg9[%swap3A_410, %swap3A_411], %add3A_406 {strides = array<i32>} : memref<64x128xf32, #tpu.memory_space<vmem>>, vector<16xf32>,
        %broadcast_in_dim3A_413 = arith.constant 21 : i32
        %broadcast_in_dim3A_414 = vector.broadcast %broadcast_in_dim3A_413 : i32 to vector<16xi32>
        %gather3A_415 = tpu.vector_load_idx %arg6[%get3A_59, %broadcast_in_dim3A_414] : memref<512x64xf32, #tpu.memory_space<vmem>>[vector<16xi32>, vector<16xi32>], vector<16xf32>,
        %gather3A_416 = tpu.vector_load_idx %arg6[%get3A_63, %broadcast_in_dim3A_414] : memref<512x64xf32, #tpu.memory_space<vmem>>[vector<16xi32>, vector<16xi32>], vector<16xf32>,
        %gather3A_417 = tpu.vector_load_idx %arg6[%get3A_67, %broadcast_in_dim3A_414] : memref<512x64xf32, #tpu.memory_space<vmem>>[vector<16xi32>, vector<16xi32>], vector<16xf32>,
        %mul3A_418 = arith.mulf %gather3A_415, %get3A_71 : vector<16xf32>
        %mul3A_419 = arith.mulf %gather3A_416, %get3A_75 : vector<16xf32>
        %add3A_420 = arith.addf %mul3A_418, %mul3A_419 : vector<16xf32>
        %mul3A_421 = arith.mulf %gather3A_417, %get3A_79 : vector<16xf32>
        %add3A_422 = arith.addf %add3A_420, %mul3A_421 : vector<16xf32>
        %mul3A_423 = arith.constant 16 : i32
        %mul3A_424 = arith.muli %scan3A_52, %mul3A_423 : i32
        %swap3A_425 = arith.constant 21 : i32
        %swap3A_426 = arith.index_cast %swap3A_425 : i32 to index
        %swap3A_427 = arith.index_cast %mul3A_424 : i32 to index
        %swap3A_428 = tpu.vector_load %arg9[%swap3A_426, %swap3A_427] {strides = array<i32>} : memref<64x128xf32, #tpu.memory_space<vmem>>, vector<16xf32>,
        tpu.vector_store %arg9[%swap3A_426, %swap3A_427], %add3A_422 {strides = array<i32>} : memref<64x128xf32, #tpu.memory_space<vmem>>, vector<16xf32>,
        %broadcast_in_dim3A_429 = arith.constant 22 : i32
        %broadcast_in_dim3A_430 = vector.broadcast %broadcast_in_dim3A_429 : i32 to vector<16xi32>
        %gather3A_431 = tpu.vector_load_idx %arg6[%get3A_59, %broadcast_in_dim3A_430] : memref<512x64xf32, #tpu.memory_space<vmem>>[vector<16xi32>, vector<16xi32>], vector<16xf32>,
        %gather3A_432 = tpu.vector_load_idx %arg6[%get3A_63, %broadcast_in_dim3A_430] : memref<512x64xf32, #tpu.memory_space<vmem>>[vector<16xi32>, vector<16xi32>], vector<16xf32>,
        %gather3A_433 = tpu.vector_load_idx %arg6[%get3A_67, %broadcast_in_dim3A_430] : memref<512x64xf32, #tpu.memory_space<vmem>>[vector<16xi32>, vector<16xi32>], vector<16xf32>,
        %mul3A_434 = arith.mulf %gather3A_431, %get3A_71 : vector<16xf32>
        %mul3A_435 = arith.mulf %gather3A_432, %get3A_75 : vector<16xf32>
        %add3A_436 = arith.addf %mul3A_434, %mul3A_435 : vector<16xf32>
        %mul3A_437 = arith.mulf %gather3A_433, %get3A_79 : vector<16xf32>
        %add3A_438 = arith.addf %add3A_436, %mul3A_437 : vector<16xf32>
        %mul3A_439 = arith.constant 16 : i32
        %mul3A_440 = arith.muli %scan3A_52, %mul3A_439 : i32
        %swap3A_441 = arith.constant 22 : i32
        %swap3A_442 = arith.index_cast %swap3A_441 : i32 to index
        %swap3A_443 = arith.index_cast %mul3A_440 : i32 to index
        %swap3A_444 = tpu.vector_load %arg9[%swap3A_442, %swap3A_443] {strides = array<i32>} : memref<64x128xf32, #tpu.memory_space<vmem>>, vector<16xf32>,
        tpu.vector_store %arg9[%swap3A_442, %swap3A_443], %add3A_438 {strides = array<i32>} : memref<64x128xf32, #tpu.memory_space<vmem>>, vector<16xf32>,
        %broadcast_in_dim3A_445 = arith.constant 23 : i32
        %broadcast_in_dim3A_446 = vector.broadcast %broadcast_in_dim3A_445 : i32 to vector<16xi32>
        %gather3A_447 = tpu.vector_load_idx %arg6[%get3A_59, %broadcast_in_dim3A_446] : memref<512x64xf32, #tpu.memory_space<vmem>>[vector<16xi32>, vector<16xi32>], vector<16xf32>,
        %gather3A_448 = tpu.vector_load_idx %arg6[%get3A_63, %broadcast_in_dim3A_446] : memref<512x64xf32, #tpu.memory_space<vmem>>[vector<16xi32>, vector<16xi32>], vector<16xf32>,
        %gather3A_449 = tpu.vector_load_idx %arg6[%get3A_67, %broadcast_in_dim3A_446] : memref<512x64xf32, #tpu.memory_space<vmem>>[vector<16xi32>, vector<16xi32>], vector<16xf32>,
        %mul3A_450 = arith.mulf %gather3A_447, %get3A_71 : vector<16xf32>
        %mul3A_451 = arith.mulf %gather3A_448, %get3A_75 : vector<16xf32>
        %add3A_452 = arith.addf %mul3A_450, %mul3A_451 : vector<16xf32>
        %mul3A_453 = arith.mulf %gather3A_449, %get3A_79 : vector<16xf32>
        %add3A_454 = arith.addf %add3A_452, %mul3A_453 : vector<16xf32>
        %mul3A_455 = arith.constant 16 : i32
        %mul3A_456 = arith.muli %scan3A_52, %mul3A_455 : i32
        %swap3A_457 = arith.constant 23 : i32
        %swap3A_458 = arith.index_cast %swap3A_457 : i32 to index
        %swap3A_459 = arith.index_cast %mul3A_456 : i32 to index
        %swap3A_460 = tpu.vector_load %arg9[%swap3A_458, %swap3A_459] {strides = array<i32>} : memref<64x128xf32, #tpu.memory_space<vmem>>, vector<16xf32>,
        tpu.vector_store %arg9[%swap3A_458, %swap3A_459], %add3A_454 {strides = array<i32>} : memref<64x128xf32, #tpu.memory_space<vmem>>, vector<16xf32>,
        %broadcast_in_dim3A_461 = arith.constant 24 : i32
        %broadcast_in_dim3A_462 = vector.broadcast %broadcast_in_dim3A_461 : i32 to vector<16xi32>
        %gather3A_463 = tpu.vector_load_idx %arg6[%get3A_59, %broadcast_in_dim3A_462] : memref<512x64xf32, #tpu.memory_space<vmem>>[vector<16xi32>, vector<16xi32>], vector<16xf32>,
        %gather3A_464 = tpu.vector_load_idx %arg6[%get3A_63, %broadcast_in_dim3A_462] : memref<512x64xf32, #tpu.memory_space<vmem>>[vector<16xi32>, vector<16xi32>], vector<16xf32>,
        %gather3A_465 = tpu.vector_load_idx %arg6[%get3A_67, %broadcast_in_dim3A_462] : memref<512x64xf32, #tpu.memory_space<vmem>>[vector<16xi32>, vector<16xi32>], vector<16xf32>,
        %mul3A_466 = arith.mulf %gather3A_463, %get3A_71 : vector<16xf32>
        %mul3A_467 = arith.mulf %gather3A_464, %get3A_75 : vector<16xf32>
        %add3A_468 = arith.addf %mul3A_466, %mul3A_467 : vector<16xf32>
        %mul3A_469 = arith.mulf %gather3A_465, %get3A_79 : vector<16xf32>
        %add3A_470 = arith.addf %add3A_468, %mul3A_469 : vector<16xf32>
        %mul3A_471 = arith.constant 16 : i32
        %mul3A_472 = arith.muli %scan3A_52, %mul3A_471 : i32
        %swap3A_473 = arith.constant 24 : i32
        %swap3A_474 = arith.index_cast %swap3A_473 : i32 to index
        %swap3A_475 = arith.index_cast %mul3A_472 : i32 to index
        %swap3A_476 = tpu.vector_load %arg9[%swap3A_474, %swap3A_475] {strides = array<i32>} : memref<64x128xf32, #tpu.memory_space<vmem>>, vector<16xf32>,
        tpu.vector_store %arg9[%swap3A_474, %swap3A_475], %add3A_470 {strides = array<i32>} : memref<64x128xf32, #tpu.memory_space<vmem>>, vector<16xf32>,
        %broadcast_in_dim3A_477 = arith.constant 25 : i32
        %broadcast_in_dim3A_478 = vector.broadcast %broadcast_in_dim3A_477 : i32 to vector<16xi32>
        %gather3A_479 = tpu.vector_load_idx %arg6[%get3A_59, %broadcast_in_dim3A_478] : memref<512x64xf32, #tpu.memory_space<vmem>>[vector<16xi32>, vector<16xi32>], vector<16xf32>,
        %gather3A_480 = tpu.vector_load_idx %arg6[%get3A_63, %broadcast_in_dim3A_478] : memref<512x64xf32, #tpu.memory_space<vmem>>[vector<16xi32>, vector<16xi32>], vector<16xf32>,
        %gather3A_481 = tpu.vector_load_idx %arg6[%get3A_67, %broadcast_in_dim3A_478] : memref<512x64xf32, #tpu.memory_space<vmem>>[vector<16xi32>, vector<16xi32>], vector<16xf32>,
        %mul3A_482 = arith.mulf %gather3A_479, %get3A_71 : vector<16xf32>
        %mul3A_483 = arith.mulf %gather3A_480, %get3A_75 : vector<16xf32>
        %add3A_484 = arith.addf %mul3A_482, %mul3A_483 : vector<16xf32>
        %mul3A_485 = arith.mulf %gather3A_481, %get3A_79 : vector<16xf32>
        %add3A_486 = arith.addf %add3A_484, %mul3A_485 : vector<16xf32>
        %mul3A_487 = arith.constant 16 : i32
        %mul3A_488 = arith.muli %scan3A_52, %mul3A_487 : i32
        %swap3A_489 = arith.constant 25 : i32
        %swap3A_490 = arith.index_cast %swap3A_489 : i32 to index
        %swap3A_491 = arith.index_cast %mul3A_488 : i32 to index
        %swap3A_492 = tpu.vector_load %arg9[%swap3A_490, %swap3A_491] {strides = array<i32>} : memref<64x128xf32, #tpu.memory_space<vmem>>, vector<16xf32>,
        tpu.vector_store %arg9[%swap3A_490, %swap3A_491], %add3A_486 {strides = array<i32>} : memref<64x128xf32, #tpu.memory_space<vmem>>, vector<16xf32>,
        %broadcast_in_dim3A_493 = arith.constant 26 : i32
        %broadcast_in_dim3A_494 = vector.broadcast %broadcast_in_dim3A_493 : i32 to vector<16xi32>
        %gather3A_495 = tpu.vector_load_idx %arg6[%get3A_59, %broadcast_in_dim3A_494] : memref<512x64xf32, #tpu.memory_space<vmem>>[vector<16xi32>, vector<16xi32>], vector<16xf32>,
        %gather3A_496 = tpu.vector_load_idx %arg6[%get3A_63, %broadcast_in_dim3A_494] : memref<512x64xf32, #tpu.memory_space<vmem>>[vector<16xi32>, vector<16xi32>], vector<16xf32>,
        %gather3A_497 = tpu.vector_load_idx %arg6[%get3A_67, %broadcast_in_dim3A_494] : memref<512x64xf32, #tpu.memory_space<vmem>>[vector<16xi32>, vector<16xi32>], vector<16xf32>,
        %mul3A_498 = arith.mulf %gather3A_495, %get3A_71 : vector<16xf32>
        %mul3A_499 = arith.mulf %gather3A_496, %get3A_75 : vector<16xf32>
        %add3A_500 = arith.addf %mul3A_498, %mul3A_499 : vector<16xf32>
        %mul3A_501 = arith.mulf %gather3A_497, %get3A_79 : vector<16xf32>
        %add3A_502 = arith.addf %add3A_500, %mul3A_501 : vector<16xf32>
        %mul3A_503 = arith.constant 16 : i32
        %mul3A_504 = arith.muli %scan3A_52, %mul3A_503 : i32
        %swap3A_505 = arith.constant 26 : i32
        %swap3A_506 = arith.index_cast %swap3A_505 : i32 to index
        %swap3A_507 = arith.index_cast %mul3A_504 : i32 to index
        %swap3A_508 = tpu.vector_load %arg9[%swap3A_506, %swap3A_507] {strides = array<i32>} : memref<64x128xf32, #tpu.memory_space<vmem>>, vector<16xf32>,
        tpu.vector_store %arg9[%swap3A_506, %swap3A_507], %add3A_502 {strides = array<i32>} : memref<64x128xf32, #tpu.memory_space<vmem>>, vector<16xf32>,
        %broadcast_in_dim3A_509 = arith.constant 27 : i32
        %broadcast_in_dim3A_510 = vector.broadcast %broadcast_in_dim3A_509 : i32 to vector<16xi32>
        %gather3A_511 = tpu.vector_load_idx %arg6[%get3A_59, %broadcast_in_dim3A_510] : memref<512x64xf32, #tpu.memory_space<vmem>>[vector<16xi32>, vector<16xi32>], vector<16xf32>,
        %gather3A_512 = tpu.vector_load_idx %arg6[%get3A_63, %broadcast_in_dim3A_510] : memref<512x64xf32, #tpu.memory_space<vmem>>[vector<16xi32>, vector<16xi32>], vector<16xf32>,
        %gather3A_513 = tpu.vector_load_idx %arg6[%get3A_67, %broadcast_in_dim3A_510] : memref<512x64xf32, #tpu.memory_space<vmem>>[vector<16xi32>, vector<16xi32>], vector<16xf32>,
        %mul3A_514 = arith.mulf %gather3A_511, %get3A_71 : vector<16xf32>
        %mul3A_515 = arith.mulf %gather3A_512, %get3A_75 : vector<16xf32>
        %add3A_516 = arith.addf %mul3A_514, %mul3A_515 : vector<16xf32>
        %mul3A_517 = arith.mulf %gather3A_513, %get3A_79 : vector<16xf32>
        %add3A_518 = arith.addf %add3A_516, %mul3A_517 : vector<16xf32>
        %mul3A_519 = arith.constant 16 : i32
        %mul3A_520 = arith.muli %scan3A_52, %mul3A_519 : i32
        %swap3A_521 = arith.constant 27 : i32
        %swap3A_522 = arith.index_cast %swap3A_521 : i32 to index
        %swap3A_523 = arith.index_cast %mul3A_520 : i32 to index
        %swap3A_524 = tpu.vector_load %arg9[%swap3A_522, %swap3A_523] {strides = array<i32>} : memref<64x128xf32, #tpu.memory_space<vmem>>, vector<16xf32>,
        tpu.vector_store %arg9[%swap3A_522, %swap3A_523], %add3A_518 {strides = array<i32>} : memref<64x128xf32, #tpu.memory_space<vmem>>, vector<16xf32>,
        %broadcast_in_dim3A_525 = arith.constant 28 : i32
        %broadcast_in_dim3A_526 = vector.broadcast %broadcast_in_dim3A_525 : i32 to vector<16xi32>
        %gather3A_527 = tpu.vector_load_idx %arg6[%get3A_59, %broadcast_in_dim3A_526] : memref<512x64xf32, #tpu.memory_space<vmem>>[vector<16xi32>, vector<16xi32>], vector<16xf32>,
        %gather3A_528 = tpu.vector_load_idx %arg6[%get3A_63, %broadcast_in_dim3A_526] : memref<512x64xf32, #tpu.memory_space<vmem>>[vector<16xi32>, vector<16xi32>], vector<16xf32>,
        %gather3A_529 = tpu.vector_load_idx %arg6[%get3A_67, %broadcast_in_dim3A_526] : memref<512x64xf32, #tpu.memory_space<vmem>>[vector<16xi32>, vector<16xi32>], vector<16xf32>,
        %mul3A_530 = arith.mulf %gather3A_527, %get3A_71 : vector<16xf32>
        %mul3A_531 = arith.mulf %gather3A_528, %get3A_75 : vector<16xf32>
        %add3A_532 = arith.addf %mul3A_530, %mul3A_531 : vector<16xf32>
        %mul3A_533 = arith.mulf %gather3A_529, %get3A_79 : vector<16xf32>
        %add3A_534 = arith.addf %add3A_532, %mul3A_533 : vector<16xf32>
        %mul3A_535 = arith.constant 16 : i32
        %mul3A_536 = arith.muli %scan3A_52, %mul3A_535 : i32
        %swap3A_537 = arith.constant 28 : i32
        %swap3A_538 = arith.index_cast %swap3A_537 : i32 to index
        %swap3A_539 = arith.index_cast %mul3A_536 : i32 to index
        %swap3A_540 = tpu.vector_load %arg9[%swap3A_538, %swap3A_539] {strides = array<i32>} : memref<64x128xf32, #tpu.memory_space<vmem>>, vector<16xf32>,
        tpu.vector_store %arg9[%swap3A_538, %swap3A_539], %add3A_534 {strides = array<i32>} : memref<64x128xf32, #tpu.memory_space<vmem>>, vector<16xf32>,
        %broadcast_in_dim3A_541 = arith.constant 29 : i32
        %broadcast_in_dim3A_542 = vector.broadcast %broadcast_in_dim3A_541 : i32 to vector<16xi32>
        %gather3A_543 = tpu.vector_load_idx %arg6[%get3A_59, %broadcast_in_dim3A_542] : memref<512x64xf32, #tpu.memory_space<vmem>>[vector<16xi32>, vector<16xi32>], vector<16xf32>,
        %gather3A_544 = tpu.vector_load_idx %arg6[%get3A_63, %broadcast_in_dim3A_542] : memref<512x64xf32, #tpu.memory_space<vmem>>[vector<16xi32>, vector<16xi32>], vector<16xf32>,
        %gather3A_545 = tpu.vector_load_idx %arg6[%get3A_67, %broadcast_in_dim3A_542] : memref<512x64xf32, #tpu.memory_space<vmem>>[vector<16xi32>, vector<16xi32>], vector<16xf32>,
        %mul3A_546 = arith.mulf %gather3A_543, %get3A_71 : vector<16xf32>
        %mul3A_547 = arith.mulf %gather3A_544, %get3A_75 : vector<16xf32>
        %add3A_548 = arith.addf %mul3A_546, %mul3A_547 : vector<16xf32>
        %mul3A_549 = arith.mulf %gather3A_545, %get3A_79 : vector<16xf32>
        %add3A_550 = arith.addf %add3A_548, %mul3A_549 : vector<16xf32>
        %mul3A_551 = arith.constant 16 : i32
        %mul3A_552 = arith.muli %scan3A_52, %mul3A_551 : i32
        %swap3A_553 = arith.constant 29 : i32
        %swap3A_554 = arith.index_cast %swap3A_553 : i32 to index
        %swap3A_555 = arith.index_cast %mul3A_552 : i32 to index
        %swap3A_556 = tpu.vector_load %arg9[%swap3A_554, %swap3A_555] {strides = array<i32>} : memref<64x128xf32, #tpu.memory_space<vmem>>, vector<16xf32>,
        tpu.vector_store %arg9[%swap3A_554, %swap3A_555], %add3A_550 {strides = array<i32>} : memref<64x128xf32, #tpu.memory_space<vmem>>, vector<16xf32>,
        %broadcast_in_dim3A_557 = arith.constant 30 : i32
        %broadcast_in_dim3A_558 = vector.broadcast %broadcast_in_dim3A_557 : i32 to vector<16xi32>
        %gather3A_559 = tpu.vector_load_idx %arg6[%get3A_59, %broadcast_in_dim3A_558] : memref<512x64xf32, #tpu.memory_space<vmem>>[vector<16xi32>, vector<16xi32>], vector<16xf32>,
        %gather3A_560 = tpu.vector_load_idx %arg6[%get3A_63, %broadcast_in_dim3A_558] : memref<512x64xf32, #tpu.memory_space<vmem>>[vector<16xi32>, vector<16xi32>], vector<16xf32>,
        %gather3A_561 = tpu.vector_load_idx %arg6[%get3A_67, %broadcast_in_dim3A_558] : memref<512x64xf32, #tpu.memory_space<vmem>>[vector<16xi32>, vector<16xi32>], vector<16xf32>,
        %mul3A_562 = arith.mulf %gather3A_559, %get3A_71 : vector<16xf32>
        %mul3A_563 = arith.mulf %gather3A_560, %get3A_75 : vector<16xf32>
        %add3A_564 = arith.addf %mul3A_562, %mul3A_563 : vector<16xf32>
        %mul3A_565 = arith.mulf %gather3A_561, %get3A_79 : vector<16xf32>
        %add3A_566 = arith.addf %add3A_564, %mul3A_565 : vector<16xf32>
        %mul3A_567 = arith.constant 16 : i32
        %mul3A_568 = arith.muli %scan3A_52, %mul3A_567 : i32
        %swap3A_569 = arith.constant 30 : i32
        %swap3A_570 = arith.index_cast %swap3A_569 : i32 to index
        %swap3A_571 = arith.index_cast %mul3A_568 : i32 to index
        %swap3A_572 = tpu.vector_load %arg9[%swap3A_570, %swap3A_571] {strides = array<i32>} : memref<64x128xf32, #tpu.memory_space<vmem>>, vector<16xf32>,
        tpu.vector_store %arg9[%swap3A_570, %swap3A_571], %add3A_566 {strides = array<i32>} : memref<64x128xf32, #tpu.memory_space<vmem>>, vector<16xf32>,
        %broadcast_in_dim3A_573 = arith.constant 31 : i32
        %broadcast_in_dim3A_574 = vector.broadcast %broadcast_in_dim3A_573 : i32 to vector<16xi32>
        %gather3A_575 = tpu.vector_load_idx %arg6[%get3A_59, %broadcast_in_dim3A_574] : memref<512x64xf32, #tpu.memory_space<vmem>>[vector<16xi32>, vector<16xi32>], vector<16xf32>,
        %gather3A_576 = tpu.vector_load_idx %arg6[%get3A_63, %broadcast_in_dim3A_574] : memref<512x64xf32, #tpu.memory_space<vmem>>[vector<16xi32>, vector<16xi32>], vector<16xf32>,
        %gather3A_577 = tpu.vector_load_idx %arg6[%get3A_67, %broadcast_in_dim3A_574] : memref<512x64xf32, #tpu.memory_space<vmem>>[vector<16xi32>, vector<16xi32>], vector<16xf32>,
        %mul3A_578 = arith.mulf %gather3A_575, %get3A_71 : vector<16xf32>
        %mul3A_579 = arith.mulf %gather3A_576, %get3A_75 : vector<16xf32>
        %add3A_580 = arith.addf %mul3A_578, %mul3A_579 : vector<16xf32>
        %mul3A_581 = arith.mulf %gather3A_577, %get3A_79 : vector<16xf32>
        %add3A_582 = arith.addf %add3A_580, %mul3A_581 : vector<16xf32>
        %mul3A_583 = arith.constant 16 : i32
        %mul3A_584 = arith.muli %scan3A_52, %mul3A_583 : i32
        %swap3A_585 = arith.constant 31 : i32
        %swap3A_586 = arith.index_cast %swap3A_585 : i32 to index
        %swap3A_587 = arith.index_cast %mul3A_584 : i32 to index
        %swap3A_588 = tpu.vector_load %arg9[%swap3A_586, %swap3A_587] {strides = array<i32>} : memref<64x128xf32, #tpu.memory_space<vmem>>, vector<16xf32>,
        tpu.vector_store %arg9[%swap3A_586, %swap3A_587], %add3A_582 {strides = array<i32>} : memref<64x128xf32, #tpu.memory_space<vmem>>, vector<16xf32>,
        %broadcast_in_dim3A_589 = arith.constant 32 : i32
        %broadcast_in_dim3A_590 = vector.broadcast %broadcast_in_dim3A_589 : i32 to vector<16xi32>
        %gather3A_591 = tpu.vector_load_idx %arg6[%get3A_59, %broadcast_in_dim3A_590] : memref<512x64xf32, #tpu.memory_space<vmem>>[vector<16xi32>, vector<16xi32>], vector<16xf32>,
        %gather3A_592 = tpu.vector_load_idx %arg6[%get3A_63, %broadcast_in_dim3A_590] : memref<512x64xf32, #tpu.memory_space<vmem>>[vector<16xi32>, vector<16xi32>], vector<16xf32>,
        %gather3A_593 = tpu.vector_load_idx %arg6[%get3A_67, %broadcast_in_dim3A_590] : memref<512x64xf32, #tpu.memory_space<vmem>>[vector<16xi32>, vector<16xi32>], vector<16xf32>,
        %mul3A_594 = arith.mulf %gather3A_591, %get3A_71 : vector<16xf32>
        %mul3A_595 = arith.mulf %gather3A_592, %get3A_75 : vector<16xf32>
        %add3A_596 = arith.addf %mul3A_594, %mul3A_595 : vector<16xf32>
        %mul3A_597 = arith.mulf %gather3A_593, %get3A_79 : vector<16xf32>
        %add3A_598 = arith.addf %add3A_596, %mul3A_597 : vector<16xf32>
        %mul3A_599 = arith.constant 16 : i32
        %mul3A_600 = arith.muli %scan3A_52, %mul3A_599 : i32
        %swap3A_601 = arith.constant 32 : i32
        %swap3A_602 = arith.index_cast %swap3A_601 : i32 to index
        %swap3A_603 = arith.index_cast %mul3A_600 : i32 to index
        %swap3A_604 = tpu.vector_load %arg9[%swap3A_602, %swap3A_603] {strides = array<i32>} : memref<64x128xf32, #tpu.memory_space<vmem>>, vector<16xf32>,
        tpu.vector_store %arg9[%swap3A_602, %swap3A_603], %add3A_598 {strides = array<i32>} : memref<64x128xf32, #tpu.memory_space<vmem>>, vector<16xf32>,
        %broadcast_in_dim3A_605 = arith.constant 33 : i32
        %broadcast_in_dim3A_606 = vector.broadcast %broadcast_in_dim3A_605 : i32 to vector<16xi32>
        %gather3A_607 = tpu.vector_load_idx %arg6[%get3A_59, %broadcast_in_dim3A_606] : memref<512x64xf32, #tpu.memory_space<vmem>>[vector<16xi32>, vector<16xi32>], vector<16xf32>,
        %gather3A_608 = tpu.vector_load_idx %arg6[%get3A_63, %broadcast_in_dim3A_606] : memref<512x64xf32, #tpu.memory_space<vmem>>[vector<16xi32>, vector<16xi32>], vector<16xf32>,
        %gather3A_609 = tpu.vector_load_idx %arg6[%get3A_67, %broadcast_in_dim3A_606] : memref<512x64xf32, #tpu.memory_space<vmem>>[vector<16xi32>, vector<16xi32>], vector<16xf32>,
        %mul3A_610 = arith.mulf %gather3A_607, %get3A_71 : vector<16xf32>
        %mul3A_611 = arith.mulf %gather3A_608, %get3A_75 : vector<16xf32>
        %add3A_612 = arith.addf %mul3A_610, %mul3A_611 : vector<16xf32>
        %mul3A_613 = arith.mulf %gather3A_609, %get3A_79 : vector<16xf32>
        %add3A_614 = arith.addf %add3A_612, %mul3A_613 : vector<16xf32>
        %mul3A_615 = arith.constant 16 : i32
        %mul3A_616 = arith.muli %scan3A_52, %mul3A_615 : i32
        %swap3A_617 = arith.constant 33 : i32
        %swap3A_618 = arith.index_cast %swap3A_617 : i32 to index
        %swap3A_619 = arith.index_cast %mul3A_616 : i32 to index
        %swap3A_620 = tpu.vector_load %arg9[%swap3A_618, %swap3A_619] {strides = array<i32>} : memref<64x128xf32, #tpu.memory_space<vmem>>, vector<16xf32>,
        tpu.vector_store %arg9[%swap3A_618, %swap3A_619], %add3A_614 {strides = array<i32>} : memref<64x128xf32, #tpu.memory_space<vmem>>, vector<16xf32>,
        %broadcast_in_dim3A_621 = arith.constant 34 : i32
        %broadcast_in_dim3A_622 = vector.broadcast %broadcast_in_dim3A_621 : i32 to vector<16xi32>
        %gather3A_623 = tpu.vector_load_idx %arg6[%get3A_59, %broadcast_in_dim3A_622] : memref<512x64xf32, #tpu.memory_space<vmem>>[vector<16xi32>, vector<16xi32>], vector<16xf32>,
        %gather3A_624 = tpu.vector_load_idx %arg6[%get3A_63, %broadcast_in_dim3A_622] : memref<512x64xf32, #tpu.memory_space<vmem>>[vector<16xi32>, vector<16xi32>], vector<16xf32>,
        %gather3A_625 = tpu.vector_load_idx %arg6[%get3A_67, %broadcast_in_dim3A_622] : memref<512x64xf32, #tpu.memory_space<vmem>>[vector<16xi32>, vector<16xi32>], vector<16xf32>,
        %mul3A_626 = arith.mulf %gather3A_623, %get3A_71 : vector<16xf32>
        %mul3A_627 = arith.mulf %gather3A_624, %get3A_75 : vector<16xf32>
        %add3A_628 = arith.addf %mul3A_626, %mul3A_627 : vector<16xf32>
        %mul3A_629 = arith.mulf %gather3A_625, %get3A_79 : vector<16xf32>
        %add3A_630 = arith.addf %add3A_628, %mul3A_629 : vector<16xf32>
        %mul3A_631 = arith.constant 16 : i32
        %mul3A_632 = arith.muli %scan3A_52, %mul3A_631 : i32
        %swap3A_633 = arith.constant 34 : i32
        %swap3A_634 = arith.index_cast %swap3A_633 : i32 to index
        %swap3A_635 = arith.index_cast %mul3A_632 : i32 to index
        %swap3A_636 = tpu.vector_load %arg9[%swap3A_634, %swap3A_635] {strides = array<i32>} : memref<64x128xf32, #tpu.memory_space<vmem>>, vector<16xf32>,
        tpu.vector_store %arg9[%swap3A_634, %swap3A_635], %add3A_630 {strides = array<i32>} : memref<64x128xf32, #tpu.memory_space<vmem>>, vector<16xf32>,
        %broadcast_in_dim3A_637 = arith.constant 35 : i32
        %broadcast_in_dim3A_638 = vector.broadcast %broadcast_in_dim3A_637 : i32 to vector<16xi32>
        %gather3A_639 = tpu.vector_load_idx %arg6[%get3A_59, %broadcast_in_dim3A_638] : memref<512x64xf32, #tpu.memory_space<vmem>>[vector<16xi32>, vector<16xi32>], vector<16xf32>,
        %gather3A_640 = tpu.vector_load_idx %arg6[%get3A_63, %broadcast_in_dim3A_638] : memref<512x64xf32, #tpu.memory_space<vmem>>[vector<16xi32>, vector<16xi32>], vector<16xf32>,
        %gather3A_641 = tpu.vector_load_idx %arg6[%get3A_67, %broadcast_in_dim3A_638] : memref<512x64xf32, #tpu.memory_space<vmem>>[vector<16xi32>, vector<16xi32>], vector<16xf32>,
        %mul3A_642 = arith.mulf %gather3A_639, %get3A_71 : vector<16xf32>
        %mul3A_643 = arith.mulf %gather3A_640, %get3A_75 : vector<16xf32>
        %add3A_644 = arith.addf %mul3A_642, %mul3A_643 : vector<16xf32>
        %mul3A_645 = arith.mulf %gather3A_641, %get3A_79 : vector<16xf32>
        %add3A_646 = arith.addf %add3A_644, %mul3A_645 : vector<16xf32>
        %mul3A_647 = arith.constant 16 : i32
        %mul3A_648 = arith.muli %scan3A_52, %mul3A_647 : i32
        %swap3A_649 = arith.constant 35 : i32
        %swap3A_650 = arith.index_cast %swap3A_649 : i32 to index
        %swap3A_651 = arith.index_cast %mul3A_648 : i32 to index
        %swap3A_652 = tpu.vector_load %arg9[%swap3A_650, %swap3A_651] {strides = array<i32>} : memref<64x128xf32, #tpu.memory_space<vmem>>, vector<16xf32>,
        tpu.vector_store %arg9[%swap3A_650, %swap3A_651], %add3A_646 {strides = array<i32>} : memref<64x128xf32, #tpu.memory_space<vmem>>, vector<16xf32>,
        %broadcast_in_dim3A_653 = arith.constant 36 : i32
        %broadcast_in_dim3A_654 = vector.broadcast %broadcast_in_dim3A_653 : i32 to vector<16xi32>
        %gather3A_655 = tpu.vector_load_idx %arg6[%get3A_59, %broadcast_in_dim3A_654] : memref<512x64xf32, #tpu.memory_space<vmem>>[vector<16xi32>, vector<16xi32>], vector<16xf32>,
        %gather3A_656 = tpu.vector_load_idx %arg6[%get3A_63, %broadcast_in_dim3A_654] : memref<512x64xf32, #tpu.memory_space<vmem>>[vector<16xi32>, vector<16xi32>], vector<16xf32>,
        %gather3A_657 = tpu.vector_load_idx %arg6[%get3A_67, %broadcast_in_dim3A_654] : memref<512x64xf32, #tpu.memory_space<vmem>>[vector<16xi32>, vector<16xi32>], vector<16xf32>,
        %mul3A_658 = arith.mulf %gather3A_655, %get3A_71 : vector<16xf32>
        %mul3A_659 = arith.mulf %gather3A_656, %get3A_75 : vector<16xf32>
        %add3A_660 = arith.addf %mul3A_658, %mul3A_659 : vector<16xf32>
        %mul3A_661 = arith.mulf %gather3A_657, %get3A_79 : vector<16xf32>
        %add3A_662 = arith.addf %add3A_660, %mul3A_661 : vector<16xf32>
        %mul3A_663 = arith.constant 16 : i32
        %mul3A_664 = arith.muli %scan3A_52, %mul3A_663 : i32
        %swap3A_665 = arith.constant 36 : i32
        %swap3A_666 = arith.index_cast %swap3A_665 : i32 to index
        %swap3A_667 = arith.index_cast %mul3A_664 : i32 to index
        %swap3A_668 = tpu.vector_load %arg9[%swap3A_666, %swap3A_667] {strides = array<i32>} : memref<64x128xf32, #tpu.memory_space<vmem>>, vector<16xf32>,
        tpu.vector_store %arg9[%swap3A_666, %swap3A_667], %add3A_662 {strides = array<i32>} : memref<64x128xf32, #tpu.memory_space<vmem>>, vector<16xf32>,
        %broadcast_in_dim3A_669 = arith.constant 37 : i32
        %broadcast_in_dim3A_670 = vector.broadcast %broadcast_in_dim3A_669 : i32 to vector<16xi32>
        %gather3A_671 = tpu.vector_load_idx %arg6[%get3A_59, %broadcast_in_dim3A_670] : memref<512x64xf32, #tpu.memory_space<vmem>>[vector<16xi32>, vector<16xi32>], vector<16xf32>,
        %gather3A_672 = tpu.vector_load_idx %arg6[%get3A_63, %broadcast_in_dim3A_670] : memref<512x64xf32, #tpu.memory_space<vmem>>[vector<16xi32>, vector<16xi32>], vector<16xf32>,
        %gather3A_673 = tpu.vector_load_idx %arg6[%get3A_67, %broadcast_in_dim3A_670] : memref<512x64xf32, #tpu.memory_space<vmem>>[vector<16xi32>, vector<16xi32>], vector<16xf32>,
        %mul3A_674 = arith.mulf %gather3A_671, %get3A_71 : vector<16xf32>
        %mul3A_675 = arith.mulf %gather3A_672, %get3A_75 : vector<16xf32>
        %add3A_676 = arith.addf %mul3A_674, %mul3A_675 : vector<16xf32>
        %mul3A_677 = arith.mulf %gather3A_673, %get3A_79 : vector<16xf32>
        %add3A_678 = arith.addf %add3A_676, %mul3A_677 : vector<16xf32>
        %mul3A_679 = arith.constant 16 : i32
        %mul3A_680 = arith.muli %scan3A_52, %mul3A_679 : i32
        %swap3A_681 = arith.constant 37 : i32
        %swap3A_682 = arith.index_cast %swap3A_681 : i32 to index
        %swap3A_683 = arith.index_cast %mul3A_680 : i32 to index
        %swap3A_684 = tpu.vector_load %arg9[%swap3A_682, %swap3A_683] {strides = array<i32>} : memref<64x128xf32, #tpu.memory_space<vmem>>, vector<16xf32>,
        tpu.vector_store %arg9[%swap3A_682, %swap3A_683], %add3A_678 {strides = array<i32>} : memref<64x128xf32, #tpu.memory_space<vmem>>, vector<16xf32>,
        %broadcast_in_dim3A_685 = arith.constant 38 : i32
        %broadcast_in_dim3A_686 = vector.broadcast %broadcast_in_dim3A_685 : i32 to vector<16xi32>
        %gather3A_687 = tpu.vector_load_idx %arg6[%get3A_59, %broadcast_in_dim3A_686] : memref<512x64xf32, #tpu.memory_space<vmem>>[vector<16xi32>, vector<16xi32>], vector<16xf32>,
        %gather3A_688 = tpu.vector_load_idx %arg6[%get3A_63, %broadcast_in_dim3A_686] : memref<512x64xf32, #tpu.memory_space<vmem>>[vector<16xi32>, vector<16xi32>], vector<16xf32>,
        %gather3A_689 = tpu.vector_load_idx %arg6[%get3A_67, %broadcast_in_dim3A_686] : memref<512x64xf32, #tpu.memory_space<vmem>>[vector<16xi32>, vector<16xi32>], vector<16xf32>,
        %mul3A_690 = arith.mulf %gather3A_687, %get3A_71 : vector<16xf32>
        %mul3A_691 = arith.mulf %gather3A_688, %get3A_75 : vector<16xf32>
        %add3A_692 = arith.addf %mul3A_690, %mul3A_691 : vector<16xf32>
        %mul3A_693 = arith.mulf %gather3A_689, %get3A_79 : vector<16xf32>
        %add3A_694 = arith.addf %add3A_692, %mul3A_693 : vector<16xf32>
        %mul3A_695 = arith.constant 16 : i32
        %mul3A_696 = arith.muli %scan3A_52, %mul3A_695 : i32
        %swap3A_697 = arith.constant 38 : i32
        %swap3A_698 = arith.index_cast %swap3A_697 : i32 to index
        %swap3A_699 = arith.index_cast %mul3A_696 : i32 to index
        %swap3A_700 = tpu.vector_load %arg9[%swap3A_698, %swap3A_699] {strides = array<i32>} : memref<64x128xf32, #tpu.memory_space<vmem>>, vector<16xf32>,
        tpu.vector_store %arg9[%swap3A_698, %swap3A_699], %add3A_694 {strides = array<i32>} : memref<64x128xf32, #tpu.memory_space<vmem>>, vector<16xf32>,
        %broadcast_in_dim3A_701 = arith.constant 39 : i32
        %broadcast_in_dim3A_702 = vector.broadcast %broadcast_in_dim3A_701 : i32 to vector<16xi32>
        %gather3A_703 = tpu.vector_load_idx %arg6[%get3A_59, %broadcast_in_dim3A_702] : memref<512x64xf32, #tpu.memory_space<vmem>>[vector<16xi32>, vector<16xi32>], vector<16xf32>,
        %gather3A_704 = tpu.vector_load_idx %arg6[%get3A_63, %broadcast_in_dim3A_702] : memref<512x64xf32, #tpu.memory_space<vmem>>[vector<16xi32>, vector<16xi32>], vector<16xf32>,
        %gather3A_705 = tpu.vector_load_idx %arg6[%get3A_67, %broadcast_in_dim3A_702] : memref<512x64xf32, #tpu.memory_space<vmem>>[vector<16xi32>, vector<16xi32>], vector<16xf32>,
        %mul3A_706 = arith.mulf %gather3A_703, %get3A_71 : vector<16xf32>
        %mul3A_707 = arith.mulf %gather3A_704, %get3A_75 : vector<16xf32>
        %add3A_708 = arith.addf %mul3A_706, %mul3A_707 : vector<16xf32>
        %mul3A_709 = arith.mulf %gather3A_705, %get3A_79 : vector<16xf32>
        %add3A_710 = arith.addf %add3A_708, %mul3A_709 : vector<16xf32>
        %mul3A_711 = arith.constant 16 : i32
        %mul3A_712 = arith.muli %scan3A_52, %mul3A_711 : i32
        %swap3A_713 = arith.constant 39 : i32
        %swap3A_714 = arith.index_cast %swap3A_713 : i32 to index
        %swap3A_715 = arith.index_cast %mul3A_712 : i32 to index
        %swap3A_716 = tpu.vector_load %arg9[%swap3A_714, %swap3A_715] {strides = array<i32>} : memref<64x128xf32, #tpu.memory_space<vmem>>, vector<16xf32>,
        tpu.vector_store %arg9[%swap3A_714, %swap3A_715], %add3A_710 {strides = array<i32>} : memref<64x128xf32, #tpu.memory_space<vmem>>, vector<16xf32>,
        %broadcast_in_dim3A_717 = arith.constant 40 : i32
        %broadcast_in_dim3A_718 = vector.broadcast %broadcast_in_dim3A_717 : i32 to vector<16xi32>
        %gather3A_719 = tpu.vector_load_idx %arg6[%get3A_59, %broadcast_in_dim3A_718] : memref<512x64xf32, #tpu.memory_space<vmem>>[vector<16xi32>, vector<16xi32>], vector<16xf32>,
        %gather3A_720 = tpu.vector_load_idx %arg6[%get3A_63, %broadcast_in_dim3A_718] : memref<512x64xf32, #tpu.memory_space<vmem>>[vector<16xi32>, vector<16xi32>], vector<16xf32>,
        %gather3A_721 = tpu.vector_load_idx %arg6[%get3A_67, %broadcast_in_dim3A_718] : memref<512x64xf32, #tpu.memory_space<vmem>>[vector<16xi32>, vector<16xi32>], vector<16xf32>,
        %mul3A_722 = arith.mulf %gather3A_719, %get3A_71 : vector<16xf32>
        %mul3A_723 = arith.mulf %gather3A_720, %get3A_75 : vector<16xf32>
        %add3A_724 = arith.addf %mul3A_722, %mul3A_723 : vector<16xf32>
        %mul3A_725 = arith.mulf %gather3A_721, %get3A_79 : vector<16xf32>
        %add3A_726 = arith.addf %add3A_724, %mul3A_725 : vector<16xf32>
        %mul3A_727 = arith.constant 16 : i32
        %mul3A_728 = arith.muli %scan3A_52, %mul3A_727 : i32
        %swap3A_729 = arith.constant 40 : i32
        %swap3A_730 = arith.index_cast %swap3A_729 : i32 to index
        %swap3A_731 = arith.index_cast %mul3A_728 : i32 to index
        %swap3A_732 = tpu.vector_load %arg9[%swap3A_730, %swap3A_731] {strides = array<i32>} : memref<64x128xf32, #tpu.memory_space<vmem>>, vector<16xf32>,
        tpu.vector_store %arg9[%swap3A_730, %swap3A_731], %add3A_726 {strides = array<i32>} : memref<64x128xf32, #tpu.memory_space<vmem>>, vector<16xf32>,
        %broadcast_in_dim3A_733 = arith.constant 41 : i32
        %broadcast_in_dim3A_734 = vector.broadcast %broadcast_in_dim3A_733 : i32 to vector<16xi32>
        %gather3A_735 = tpu.vector_load_idx %arg6[%get3A_59, %broadcast_in_dim3A_734] : memref<512x64xf32, #tpu.memory_space<vmem>>[vector<16xi32>, vector<16xi32>], vector<16xf32>,
        %gather3A_736 = tpu.vector_load_idx %arg6[%get3A_63, %broadcast_in_dim3A_734] : memref<512x64xf32, #tpu.memory_space<vmem>>[vector<16xi32>, vector<16xi32>], vector<16xf32>,
        %gather3A_737 = tpu.vector_load_idx %arg6[%get3A_67, %broadcast_in_dim3A_734] : memref<512x64xf32, #tpu.memory_space<vmem>>[vector<16xi32>, vector<16xi32>], vector<16xf32>,
        %mul3A_738 = arith.mulf %gather3A_735, %get3A_71 : vector<16xf32>
        %mul3A_739 = arith.mulf %gather3A_736, %get3A_75 : vector<16xf32>
        %add3A_740 = arith.addf %mul3A_738, %mul3A_739 : vector<16xf32>
        %mul3A_741 = arith.mulf %gather3A_737, %get3A_79 : vector<16xf32>
        %add3A_742 = arith.addf %add3A_740, %mul3A_741 : vector<16xf32>
        %mul3A_743 = arith.constant 16 : i32
        %mul3A_744 = arith.muli %scan3A_52, %mul3A_743 : i32
        %swap3A_745 = arith.constant 41 : i32
        %swap3A_746 = arith.index_cast %swap3A_745 : i32 to index
        %swap3A_747 = arith.index_cast %mul3A_744 : i32 to index
        %swap3A_748 = tpu.vector_load %arg9[%swap3A_746, %swap3A_747] {strides = array<i32>} : memref<64x128xf32, #tpu.memory_space<vmem>>, vector<16xf32>,
        tpu.vector_store %arg9[%swap3A_746, %swap3A_747], %add3A_742 {strides = array<i32>} : memref<64x128xf32, #tpu.memory_space<vmem>>, vector<16xf32>,
        %broadcast_in_dim3A_749 = arith.constant 42 : i32
        %broadcast_in_dim3A_750 = vector.broadcast %broadcast_in_dim3A_749 : i32 to vector<16xi32>
        %gather3A_751 = tpu.vector_load_idx %arg6[%get3A_59, %broadcast_in_dim3A_750] : memref<512x64xf32, #tpu.memory_space<vmem>>[vector<16xi32>, vector<16xi32>], vector<16xf32>,
        %gather3A_752 = tpu.vector_load_idx %arg6[%get3A_63, %broadcast_in_dim3A_750] : memref<512x64xf32, #tpu.memory_space<vmem>>[vector<16xi32>, vector<16xi32>], vector<16xf32>,
        %gather3A_753 = tpu.vector_load_idx %arg6[%get3A_67, %broadcast_in_dim3A_750] : memref<512x64xf32, #tpu.memory_space<vmem>>[vector<16xi32>, vector<16xi32>], vector<16xf32>,
        %mul3A_754 = arith.mulf %gather3A_751, %get3A_71 : vector<16xf32>
        %mul3A_755 = arith.mulf %gather3A_752, %get3A_75 : vector<16xf32>
        %add3A_756 = arith.addf %mul3A_754, %mul3A_755 : vector<16xf32>
        %mul3A_757 = arith.mulf %gather3A_753, %get3A_79 : vector<16xf32>
        %add3A_758 = arith.addf %add3A_756, %mul3A_757 : vector<16xf32>
        %mul3A_759 = arith.constant 16 : i32
        %mul3A_760 = arith.muli %scan3A_52, %mul3A_759 : i32
        %swap3A_761 = arith.constant 42 : i32
        %swap3A_762 = arith.index_cast %swap3A_761 : i32 to index
        %swap3A_763 = arith.index_cast %mul3A_760 : i32 to index
        %swap3A_764 = tpu.vector_load %arg9[%swap3A_762, %swap3A_763] {strides = array<i32>} : memref<64x128xf32, #tpu.memory_space<vmem>>, vector<16xf32>,
        tpu.vector_store %arg9[%swap3A_762, %swap3A_763], %add3A_758 {strides = array<i32>} : memref<64x128xf32, #tpu.memory_space<vmem>>, vector<16xf32>,
        %broadcast_in_dim3A_765 = arith.constant 43 : i32
        %broadcast_in_dim3A_766 = vector.broadcast %broadcast_in_dim3A_765 : i32 to vector<16xi32>
        %gather3A_767 = tpu.vector_load_idx %arg6[%get3A_59, %broadcast_in_dim3A_766] : memref<512x64xf32, #tpu.memory_space<vmem>>[vector<16xi32>, vector<16xi32>], vector<16xf32>,
        %gather3A_768 = tpu.vector_load_idx %arg6[%get3A_63, %broadcast_in_dim3A_766] : memref<512x64xf32, #tpu.memory_space<vmem>>[vector<16xi32>, vector<16xi32>], vector<16xf32>,
        %gather3A_769 = tpu.vector_load_idx %arg6[%get3A_67, %broadcast_in_dim3A_766] : memref<512x64xf32, #tpu.memory_space<vmem>>[vector<16xi32>, vector<16xi32>], vector<16xf32>,
        %mul3A_770 = arith.mulf %gather3A_767, %get3A_71 : vector<16xf32>
        %mul3A_771 = arith.mulf %gather3A_768, %get3A_75 : vector<16xf32>
        %add3A_772 = arith.addf %mul3A_770, %mul3A_771 : vector<16xf32>
        %mul3A_773 = arith.mulf %gather3A_769, %get3A_79 : vector<16xf32>
        %add3A_774 = arith.addf %add3A_772, %mul3A_773 : vector<16xf32>
        %mul3A_775 = arith.constant 16 : i32
        %mul3A_776 = arith.muli %scan3A_52, %mul3A_775 : i32
        %swap3A_777 = arith.constant 43 : i32
        %swap3A_778 = arith.index_cast %swap3A_777 : i32 to index
        %swap3A_779 = arith.index_cast %mul3A_776 : i32 to index
        %swap3A_780 = tpu.vector_load %arg9[%swap3A_778, %swap3A_779] {strides = array<i32>} : memref<64x128xf32, #tpu.memory_space<vmem>>, vector<16xf32>,
        tpu.vector_store %arg9[%swap3A_778, %swap3A_779], %add3A_774 {strides = array<i32>} : memref<64x128xf32, #tpu.memory_space<vmem>>, vector<16xf32>,
        %broadcast_in_dim3A_781 = arith.constant 44 : i32
        %broadcast_in_dim3A_782 = vector.broadcast %broadcast_in_dim3A_781 : i32 to vector<16xi32>
        %gather3A_783 = tpu.vector_load_idx %arg6[%get3A_59, %broadcast_in_dim3A_782] : memref<512x64xf32, #tpu.memory_space<vmem>>[vector<16xi32>, vector<16xi32>], vector<16xf32>,
        %gather3A_784 = tpu.vector_load_idx %arg6[%get3A_63, %broadcast_in_dim3A_782] : memref<512x64xf32, #tpu.memory_space<vmem>>[vector<16xi32>, vector<16xi32>], vector<16xf32>,
        %gather3A_785 = tpu.vector_load_idx %arg6[%get3A_67, %broadcast_in_dim3A_782] : memref<512x64xf32, #tpu.memory_space<vmem>>[vector<16xi32>, vector<16xi32>], vector<16xf32>,
        %mul3A_786 = arith.mulf %gather3A_783, %get3A_71 : vector<16xf32>
        %mul3A_787 = arith.mulf %gather3A_784, %get3A_75 : vector<16xf32>
        %add3A_788 = arith.addf %mul3A_786, %mul3A_787 : vector<16xf32>
        %mul3A_789 = arith.mulf %gather3A_785, %get3A_79 : vector<16xf32>
        %add3A_790 = arith.addf %add3A_788, %mul3A_789 : vector<16xf32>
        %mul3A_791 = arith.constant 16 : i32
        %mul3A_792 = arith.muli %scan3A_52, %mul3A_791 : i32
        %swap3A_793 = arith.constant 44 : i32
        %swap3A_794 = arith.index_cast %swap3A_793 : i32 to index
        %swap3A_795 = arith.index_cast %mul3A_792 : i32 to index
        %swap3A_796 = tpu.vector_load %arg9[%swap3A_794, %swap3A_795] {strides = array<i32>} : memref<64x128xf32, #tpu.memory_space<vmem>>, vector<16xf32>,
        tpu.vector_store %arg9[%swap3A_794, %swap3A_795], %add3A_790 {strides = array<i32>} : memref<64x128xf32, #tpu.memory_space<vmem>>, vector<16xf32>,
        %broadcast_in_dim3A_797 = arith.constant 45 : i32
        %broadcast_in_dim3A_798 = vector.broadcast %broadcast_in_dim3A_797 : i32 to vector<16xi32>
        %gather3A_799 = tpu.vector_load_idx %arg6[%get3A_59, %broadcast_in_dim3A_798] : memref<512x64xf32, #tpu.memory_space<vmem>>[vector<16xi32>, vector<16xi32>], vector<16xf32>,
        %gather3A_800 = tpu.vector_load_idx %arg6[%get3A_63, %broadcast_in_dim3A_798] : memref<512x64xf32, #tpu.memory_space<vmem>>[vector<16xi32>, vector<16xi32>], vector<16xf32>,
        %gather3A_801 = tpu.vector_load_idx %arg6[%get3A_67, %broadcast_in_dim3A_798] : memref<512x64xf32, #tpu.memory_space<vmem>>[vector<16xi32>, vector<16xi32>], vector<16xf32>,
        %mul3A_802 = arith.mulf %gather3A_799, %get3A_71 : vector<16xf32>
        %mul3A_803 = arith.mulf %gather3A_800, %get3A_75 : vector<16xf32>
        %add3A_804 = arith.addf %mul3A_802, %mul3A_803 : vector<16xf32>
        %mul3A_805 = arith.mulf %gather3A_801, %get3A_79 : vector<16xf32>
        %add3A_806 = arith.addf %add3A_804, %mul3A_805 : vector<16xf32>
        %mul3A_807 = arith.constant 16 : i32
        %mul3A_808 = arith.muli %scan3A_52, %mul3A_807 : i32
        %swap3A_809 = arith.constant 45 : i32
        %swap3A_810 = arith.index_cast %swap3A_809 : i32 to index
        %swap3A_811 = arith.index_cast %mul3A_808 : i32 to index
        %swap3A_812 = tpu.vector_load %arg9[%swap3A_810, %swap3A_811] {strides = array<i32>} : memref<64x128xf32, #tpu.memory_space<vmem>>, vector<16xf32>,
        tpu.vector_store %arg9[%swap3A_810, %swap3A_811], %add3A_806 {strides = array<i32>} : memref<64x128xf32, #tpu.memory_space<vmem>>, vector<16xf32>,
        %broadcast_in_dim3A_813 = arith.constant 46 : i32
        %broadcast_in_dim3A_814 = vector.broadcast %broadcast_in_dim3A_813 : i32 to vector<16xi32>
        %gather3A_815 = tpu.vector_load_idx %arg6[%get3A_59, %broadcast_in_dim3A_814] : memref<512x64xf32, #tpu.memory_space<vmem>>[vector<16xi32>, vector<16xi32>], vector<16xf32>,
        %gather3A_816 = tpu.vector_load_idx %arg6[%get3A_63, %broadcast_in_dim3A_814] : memref<512x64xf32, #tpu.memory_space<vmem>>[vector<16xi32>, vector<16xi32>], vector<16xf32>,
        %gather3A_817 = tpu.vector_load_idx %arg6[%get3A_67, %broadcast_in_dim3A_814] : memref<512x64xf32, #tpu.memory_space<vmem>>[vector<16xi32>, vector<16xi32>], vector<16xf32>,
        %mul3A_818 = arith.mulf %gather3A_815, %get3A_71 : vector<16xf32>
        %mul3A_819 = arith.mulf %gather3A_816, %get3A_75 : vector<16xf32>
        %add3A_820 = arith.addf %mul3A_818, %mul3A_819 : vector<16xf32>
        %mul3A_821 = arith.mulf %gather3A_817, %get3A_79 : vector<16xf32>
        %add3A_822 = arith.addf %add3A_820, %mul3A_821 : vector<16xf32>
        %mul3A_823 = arith.constant 16 : i32
        %mul3A_824 = arith.muli %scan3A_52, %mul3A_823 : i32
        %swap3A_825 = arith.constant 46 : i32
        %swap3A_826 = arith.index_cast %swap3A_825 : i32 to index
        %swap3A_827 = arith.index_cast %mul3A_824 : i32 to index
        %swap3A_828 = tpu.vector_load %arg9[%swap3A_826, %swap3A_827] {strides = array<i32>} : memref<64x128xf32, #tpu.memory_space<vmem>>, vector<16xf32>,
        tpu.vector_store %arg9[%swap3A_826, %swap3A_827], %add3A_822 {strides = array<i32>} : memref<64x128xf32, #tpu.memory_space<vmem>>, vector<16xf32>,
        %broadcast_in_dim3A_829 = arith.constant 47 : i32
        %broadcast_in_dim3A_830 = vector.broadcast %broadcast_in_dim3A_829 : i32 to vector<16xi32>
        %gather3A_831 = tpu.vector_load_idx %arg6[%get3A_59, %broadcast_in_dim3A_830] : memref<512x64xf32, #tpu.memory_space<vmem>>[vector<16xi32>, vector<16xi32>], vector<16xf32>,
        %gather3A_832 = tpu.vector_load_idx %arg6[%get3A_63, %broadcast_in_dim3A_830] : memref<512x64xf32, #tpu.memory_space<vmem>>[vector<16xi32>, vector<16xi32>], vector<16xf32>,
        %gather3A_833 = tpu.vector_load_idx %arg6[%get3A_67, %broadcast_in_dim3A_830] : memref<512x64xf32, #tpu.memory_space<vmem>>[vector<16xi32>, vector<16xi32>], vector<16xf32>,
        %mul3A_834 = arith.mulf %gather3A_831, %get3A_71 : vector<16xf32>
        %mul3A_835 = arith.mulf %gather3A_832, %get3A_75 : vector<16xf32>
        %add3A_836 = arith.addf %mul3A_834, %mul3A_835 : vector<16xf32>
        %mul3A_837 = arith.mulf %gather3A_833, %get3A_79 : vector<16xf32>
        %add3A_838 = arith.addf %add3A_836, %mul3A_837 : vector<16xf32>
        %mul3A_839 = arith.constant 16 : i32
        %mul3A_840 = arith.muli %scan3A_52, %mul3A_839 : i32
        %swap3A_841 = arith.constant 47 : i32
        %swap3A_842 = arith.index_cast %swap3A_841 : i32 to index
        %swap3A_843 = arith.index_cast %mul3A_840 : i32 to index
        %swap3A_844 = tpu.vector_load %arg9[%swap3A_842, %swap3A_843] {strides = array<i32>} : memref<64x128xf32, #tpu.memory_space<vmem>>, vector<16xf32>,
        tpu.vector_store %arg9[%swap3A_842, %swap3A_843], %add3A_838 {strides = array<i32>} : memref<64x128xf32, #tpu.memory_space<vmem>>, vector<16xf32>,
        %broadcast_in_dim3A_845 = arith.constant 48 : i32
        %broadcast_in_dim3A_846 = vector.broadcast %broadcast_in_dim3A_845 : i32 to vector<16xi32>
        %gather3A_847 = tpu.vector_load_idx %arg6[%get3A_59, %broadcast_in_dim3A_846] : memref<512x64xf32, #tpu.memory_space<vmem>>[vector<16xi32>, vector<16xi32>], vector<16xf32>,
        %gather3A_848 = tpu.vector_load_idx %arg6[%get3A_63, %broadcast_in_dim3A_846] : memref<512x64xf32, #tpu.memory_space<vmem>>[vector<16xi32>, vector<16xi32>], vector<16xf32>,
        %gather3A_849 = tpu.vector_load_idx %arg6[%get3A_67, %broadcast_in_dim3A_846] : memref<512x64xf32, #tpu.memory_space<vmem>>[vector<16xi32>, vector<16xi32>], vector<16xf32>,
        %mul3A_850 = arith.mulf %gather3A_847, %get3A_71 : vector<16xf32>
        %mul3A_851 = arith.mulf %gather3A_848, %get3A_75 : vector<16xf32>
        %add3A_852 = arith.addf %mul3A_850, %mul3A_851 : vector<16xf32>
        %mul3A_853 = arith.mulf %gather3A_849, %get3A_79 : vector<16xf32>
        %add3A_854 = arith.addf %add3A_852, %mul3A_853 : vector<16xf32>
        %mul3A_855 = arith.constant 16 : i32
        %mul3A_856 = arith.muli %scan3A_52, %mul3A_855 : i32
        %swap3A_857 = arith.constant 48 : i32
        %swap3A_858 = arith.index_cast %swap3A_857 : i32 to index
        %swap3A_859 = arith.index_cast %mul3A_856 : i32 to index
        %swap3A_860 = tpu.vector_load %arg9[%swap3A_858, %swap3A_859] {strides = array<i32>} : memref<64x128xf32, #tpu.memory_space<vmem>>, vector<16xf32>,
        tpu.vector_store %arg9[%swap3A_858, %swap3A_859], %add3A_854 {strides = array<i32>} : memref<64x128xf32, #tpu.memory_space<vmem>>, vector<16xf32>,
        %broadcast_in_dim3A_861 = arith.constant 49 : i32
        %broadcast_in_dim3A_862 = vector.broadcast %broadcast_in_dim3A_861 : i32 to vector<16xi32>
        %gather3A_863 = tpu.vector_load_idx %arg6[%get3A_59, %broadcast_in_dim3A_862] : memref<512x64xf32, #tpu.memory_space<vmem>>[vector<16xi32>, vector<16xi32>], vector<16xf32>,
        %gather3A_864 = tpu.vector_load_idx %arg6[%get3A_63, %broadcast_in_dim3A_862] : memref<512x64xf32, #tpu.memory_space<vmem>>[vector<16xi32>, vector<16xi32>], vector<16xf32>,
        %gather3A_865 = tpu.vector_load_idx %arg6[%get3A_67, %broadcast_in_dim3A_862] : memref<512x64xf32, #tpu.memory_space<vmem>>[vector<16xi32>, vector<16xi32>], vector<16xf32>,
        %mul3A_866 = arith.mulf %gather3A_863, %get3A_71 : vector<16xf32>
        %mul3A_867 = arith.mulf %gather3A_864, %get3A_75 : vector<16xf32>
        %add3A_868 = arith.addf %mul3A_866, %mul3A_867 : vector<16xf32>
        %mul3A_869 = arith.mulf %gather3A_865, %get3A_79 : vector<16xf32>
        %add3A_870 = arith.addf %add3A_868, %mul3A_869 : vector<16xf32>
        %mul3A_871 = arith.constant 16 : i32
        %mul3A_872 = arith.muli %scan3A_52, %mul3A_871 : i32
        %swap3A_873 = arith.constant 49 : i32
        %swap3A_874 = arith.index_cast %swap3A_873 : i32 to index
        %swap3A_875 = arith.index_cast %mul3A_872 : i32 to index
        %swap3A_876 = tpu.vector_load %arg9[%swap3A_874, %swap3A_875] {strides = array<i32>} : memref<64x128xf32, #tpu.memory_space<vmem>>, vector<16xf32>,
        tpu.vector_store %arg9[%swap3A_874, %swap3A_875], %add3A_870 {strides = array<i32>} : memref<64x128xf32, #tpu.memory_space<vmem>>, vector<16xf32>,
        %broadcast_in_dim3A_877 = arith.constant 50 : i32
        %broadcast_in_dim3A_878 = vector.broadcast %broadcast_in_dim3A_877 : i32 to vector<16xi32>
        %gather3A_879 = tpu.vector_load_idx %arg6[%get3A_59, %broadcast_in_dim3A_878] : memref<512x64xf32, #tpu.memory_space<vmem>>[vector<16xi32>, vector<16xi32>], vector<16xf32>,
        %gather3A_880 = tpu.vector_load_idx %arg6[%get3A_63, %broadcast_in_dim3A_878] : memref<512x64xf32, #tpu.memory_space<vmem>>[vector<16xi32>, vector<16xi32>], vector<16xf32>,
        %gather3A_881 = tpu.vector_load_idx %arg6[%get3A_67, %broadcast_in_dim3A_878] : memref<512x64xf32, #tpu.memory_space<vmem>>[vector<16xi32>, vector<16xi32>], vector<16xf32>,
        %mul3A_882 = arith.mulf %gather3A_879, %get3A_71 : vector<16xf32>
        %mul3A_883 = arith.mulf %gather3A_880, %get3A_75 : vector<16xf32>
        %add3A_884 = arith.addf %mul3A_882, %mul3A_883 : vector<16xf32>
        %mul3A_885 = arith.mulf %gather3A_881, %get3A_79 : vector<16xf32>
        %add3A_886 = arith.addf %add3A_884, %mul3A_885 : vector<16xf32>
        %mul3A_887 = arith.constant 16 : i32
        %mul3A_888 = arith.muli %scan3A_52, %mul3A_887 : i32
        %swap3A_889 = arith.constant 50 : i32
        %swap3A_890 = arith.index_cast %swap3A_889 : i32 to index
        %swap3A_891 = arith.index_cast %mul3A_888 : i32 to index
        %swap3A_892 = tpu.vector_load %arg9[%swap3A_890, %swap3A_891] {strides = array<i32>} : memref<64x128xf32, #tpu.memory_space<vmem>>, vector<16xf32>,
        tpu.vector_store %arg9[%swap3A_890, %swap3A_891], %add3A_886 {strides = array<i32>} : memref<64x128xf32, #tpu.memory_space<vmem>>, vector<16xf32>,
        %broadcast_in_dim3A_893 = arith.constant 51 : i32
        %broadcast_in_dim3A_894 = vector.broadcast %broadcast_in_dim3A_893 : i32 to vector<16xi32>
        %gather3A_895 = tpu.vector_load_idx %arg6[%get3A_59, %broadcast_in_dim3A_894] : memref<512x64xf32, #tpu.memory_space<vmem>>[vector<16xi32>, vector<16xi32>], vector<16xf32>,
        %gather3A_896 = tpu.vector_load_idx %arg6[%get3A_63, %broadcast_in_dim3A_894] : memref<512x64xf32, #tpu.memory_space<vmem>>[vector<16xi32>, vector<16xi32>], vector<16xf32>,
        %gather3A_897 = tpu.vector_load_idx %arg6[%get3A_67, %broadcast_in_dim3A_894] : memref<512x64xf32, #tpu.memory_space<vmem>>[vector<16xi32>, vector<16xi32>], vector<16xf32>,
        %mul3A_898 = arith.mulf %gather3A_895, %get3A_71 : vector<16xf32>
        %mul3A_899 = arith.mulf %gather3A_896, %get3A_75 : vector<16xf32>
        %add3A_900 = arith.addf %mul3A_898, %mul3A_899 : vector<16xf32>
        %mul3A_901 = arith.mulf %gather3A_897, %get3A_79 : vector<16xf32>
        %add3A_902 = arith.addf %add3A_900, %mul3A_901 : vector<16xf32>
        %mul3A_903 = arith.constant 16 : i32
        %mul3A_904 = arith.muli %scan3A_52, %mul3A_903 : i32
        %swap3A_905 = arith.constant 51 : i32
        %swap3A_906 = arith.index_cast %swap3A_905 : i32 to index
        %swap3A_907 = arith.index_cast %mul3A_904 : i32 to index
        %swap3A_908 = tpu.vector_load %arg9[%swap3A_906, %swap3A_907] {strides = array<i32>} : memref<64x128xf32, #tpu.memory_space<vmem>>, vector<16xf32>,
        tpu.vector_store %arg9[%swap3A_906, %swap3A_907], %add3A_902 {strides = array<i32>} : memref<64x128xf32, #tpu.memory_space<vmem>>, vector<16xf32>,
        %broadcast_in_dim3A_909 = arith.constant 52 : i32
        %broadcast_in_dim3A_910 = vector.broadcast %broadcast_in_dim3A_909 : i32 to vector<16xi32>
        %gather3A_911 = tpu.vector_load_idx %arg6[%get3A_59, %broadcast_in_dim3A_910] : memref<512x64xf32, #tpu.memory_space<vmem>>[vector<16xi32>, vector<16xi32>], vector<16xf32>,
        %gather3A_912 = tpu.vector_load_idx %arg6[%get3A_63, %broadcast_in_dim3A_910] : memref<512x64xf32, #tpu.memory_space<vmem>>[vector<16xi32>, vector<16xi32>], vector<16xf32>,
        %gather3A_913 = tpu.vector_load_idx %arg6[%get3A_67, %broadcast_in_dim3A_910] : memref<512x64xf32, #tpu.memory_space<vmem>>[vector<16xi32>, vector<16xi32>], vector<16xf32>,
        %mul3A_914 = arith.mulf %gather3A_911, %get3A_71 : vector<16xf32>
        %mul3A_915 = arith.mulf %gather3A_912, %get3A_75 : vector<16xf32>
        %add3A_916 = arith.addf %mul3A_914, %mul3A_915 : vector<16xf32>
        %mul3A_917 = arith.mulf %gather3A_913, %get3A_79 : vector<16xf32>
        %add3A_918 = arith.addf %add3A_916, %mul3A_917 : vector<16xf32>
        %mul3A_919 = arith.constant 16 : i32
        %mul3A_920 = arith.muli %scan3A_52, %mul3A_919 : i32
        %swap3A_921 = arith.constant 52 : i32
        %swap3A_922 = arith.index_cast %swap3A_921 : i32 to index
        %swap3A_923 = arith.index_cast %mul3A_920 : i32 to index
        %swap3A_924 = tpu.vector_load %arg9[%swap3A_922, %swap3A_923] {strides = array<i32>} : memref<64x128xf32, #tpu.memory_space<vmem>>, vector<16xf32>,
        tpu.vector_store %arg9[%swap3A_922, %swap3A_923], %add3A_918 {strides = array<i32>} : memref<64x128xf32, #tpu.memory_space<vmem>>, vector<16xf32>,
        %broadcast_in_dim3A_925 = arith.constant 53 : i32
        %broadcast_in_dim3A_926 = vector.broadcast %broadcast_in_dim3A_925 : i32 to vector<16xi32>
        %gather3A_927 = tpu.vector_load_idx %arg6[%get3A_59, %broadcast_in_dim3A_926] : memref<512x64xf32, #tpu.memory_space<vmem>>[vector<16xi32>, vector<16xi32>], vector<16xf32>,
        %gather3A_928 = tpu.vector_load_idx %arg6[%get3A_63, %broadcast_in_dim3A_926] : memref<512x64xf32, #tpu.memory_space<vmem>>[vector<16xi32>, vector<16xi32>], vector<16xf32>,
        %gather3A_929 = tpu.vector_load_idx %arg6[%get3A_67, %broadcast_in_dim3A_926] : memref<512x64xf32, #tpu.memory_space<vmem>>[vector<16xi32>, vector<16xi32>], vector<16xf32>,
        %mul3A_930 = arith.mulf %gather3A_927, %get3A_71 : vector<16xf32>
        %mul3A_931 = arith.mulf %gather3A_928, %get3A_75 : vector<16xf32>
        %add3A_932 = arith.addf %mul3A_930, %mul3A_931 : vector<16xf32>
        %mul3A_933 = arith.mulf %gather3A_929, %get3A_79 : vector<16xf32>
        %add3A_934 = arith.addf %add3A_932, %mul3A_933 : vector<16xf32>
        %mul3A_935 = arith.constant 16 : i32
        %mul3A_936 = arith.muli %scan3A_52, %mul3A_935 : i32
        %swap3A_937 = arith.constant 53 : i32
        %swap3A_938 = arith.index_cast %swap3A_937 : i32 to index
        %swap3A_939 = arith.index_cast %mul3A_936 : i32 to index
        %swap3A_940 = tpu.vector_load %arg9[%swap3A_938, %swap3A_939] {strides = array<i32>} : memref<64x128xf32, #tpu.memory_space<vmem>>, vector<16xf32>,
        tpu.vector_store %arg9[%swap3A_938, %swap3A_939], %add3A_934 {strides = array<i32>} : memref<64x128xf32, #tpu.memory_space<vmem>>, vector<16xf32>,
        %broadcast_in_dim3A_941 = arith.constant 54 : i32
        %broadcast_in_dim3A_942 = vector.broadcast %broadcast_in_dim3A_941 : i32 to vector<16xi32>
        %gather3A_943 = tpu.vector_load_idx %arg6[%get3A_59, %broadcast_in_dim3A_942] : memref<512x64xf32, #tpu.memory_space<vmem>>[vector<16xi32>, vector<16xi32>], vector<16xf32>,
        %gather3A_944 = tpu.vector_load_idx %arg6[%get3A_63, %broadcast_in_dim3A_942] : memref<512x64xf32, #tpu.memory_space<vmem>>[vector<16xi32>, vector<16xi32>], vector<16xf32>,
        %gather3A_945 = tpu.vector_load_idx %arg6[%get3A_67, %broadcast_in_dim3A_942] : memref<512x64xf32, #tpu.memory_space<vmem>>[vector<16xi32>, vector<16xi32>], vector<16xf32>,
        %mul3A_946 = arith.mulf %gather3A_943, %get3A_71 : vector<16xf32>
        %mul3A_947 = arith.mulf %gather3A_944, %get3A_75 : vector<16xf32>
        %add3A_948 = arith.addf %mul3A_946, %mul3A_947 : vector<16xf32>
        %mul3A_949 = arith.mulf %gather3A_945, %get3A_79 : vector<16xf32>
        %add3A_950 = arith.addf %add3A_948, %mul3A_949 : vector<16xf32>
        %mul3A_951 = arith.constant 16 : i32
        %mul3A_952 = arith.muli %scan3A_52, %mul3A_951 : i32
        %swap3A_953 = arith.constant 54 : i32
        %swap3A_954 = arith.index_cast %swap3A_953 : i32 to index
        %swap3A_955 = arith.index_cast %mul3A_952 : i32 to index
        %swap3A_956 = tpu.vector_load %arg9[%swap3A_954, %swap3A_955] {strides = array<i32>} : memref<64x128xf32, #tpu.memory_space<vmem>>, vector<16xf32>,
        tpu.vector_store %arg9[%swap3A_954, %swap3A_955], %add3A_950 {strides = array<i32>} : memref<64x128xf32, #tpu.memory_space<vmem>>, vector<16xf32>,
        %broadcast_in_dim3A_957 = arith.constant 55 : i32
        %broadcast_in_dim3A_958 = vector.broadcast %broadcast_in_dim3A_957 : i32 to vector<16xi32>
        %gather3A_959 = tpu.vector_load_idx %arg6[%get3A_59, %broadcast_in_dim3A_958] : memref<512x64xf32, #tpu.memory_space<vmem>>[vector<16xi32>, vector<16xi32>], vector<16xf32>,
        %gather3A_960 = tpu.vector_load_idx %arg6[%get3A_63, %broadcast_in_dim3A_958] : memref<512x64xf32, #tpu.memory_space<vmem>>[vector<16xi32>, vector<16xi32>], vector<16xf32>,
        %gather3A_961 = tpu.vector_load_idx %arg6[%get3A_67, %broadcast_in_dim3A_958] : memref<512x64xf32, #tpu.memory_space<vmem>>[vector<16xi32>, vector<16xi32>], vector<16xf32>,
        %mul3A_962 = arith.mulf %gather3A_959, %get3A_71 : vector<16xf32>
        %mul3A_963 = arith.mulf %gather3A_960, %get3A_75 : vector<16xf32>
        %add3A_964 = arith.addf %mul3A_962, %mul3A_963 : vector<16xf32>
        %mul3A_965 = arith.mulf %gather3A_961, %get3A_79 : vector<16xf32>
        %add3A_966 = arith.addf %add3A_964, %mul3A_965 : vector<16xf32>
        %mul3A_967 = arith.constant 16 : i32
        %mul3A_968 = arith.muli %scan3A_52, %mul3A_967 : i32
        %swap3A_969 = arith.constant 55 : i32
        %swap3A_970 = arith.index_cast %swap3A_969 : i32 to index
        %swap3A_971 = arith.index_cast %mul3A_968 : i32 to index
        %swap3A_972 = tpu.vector_load %arg9[%swap3A_970, %swap3A_971] {strides = array<i32>} : memref<64x128xf32, #tpu.memory_space<vmem>>, vector<16xf32>,
        tpu.vector_store %arg9[%swap3A_970, %swap3A_971], %add3A_966 {strides = array<i32>} : memref<64x128xf32, #tpu.memory_space<vmem>>, vector<16xf32>,
        %broadcast_in_dim3A_973 = arith.constant 56 : i32
        %broadcast_in_dim3A_974 = vector.broadcast %broadcast_in_dim3A_973 : i32 to vector<16xi32>
        %gather3A_975 = tpu.vector_load_idx %arg6[%get3A_59, %broadcast_in_dim3A_974] : memref<512x64xf32, #tpu.memory_space<vmem>>[vector<16xi32>, vector<16xi32>], vector<16xf32>,
        %gather3A_976 = tpu.vector_load_idx %arg6[%get3A_63, %broadcast_in_dim3A_974] : memref<512x64xf32, #tpu.memory_space<vmem>>[vector<16xi32>, vector<16xi32>], vector<16xf32>,
        %gather3A_977 = tpu.vector_load_idx %arg6[%get3A_67, %broadcast_in_dim3A_974] : memref<512x64xf32, #tpu.memory_space<vmem>>[vector<16xi32>, vector<16xi32>], vector<16xf32>,
        %mul3A_978 = arith.mulf %gather3A_975, %get3A_71 : vector<16xf32>
        %mul3A_979 = arith.mulf %gather3A_976, %get3A_75 : vector<16xf32>
        %add3A_980 = arith.addf %mul3A_978, %mul3A_979 : vector<16xf32>
        %mul3A_981 = arith.mulf %gather3A_977, %get3A_79 : vector<16xf32>
        %add3A_982 = arith.addf %add3A_980, %mul3A_981 : vector<16xf32>
        %mul3A_983 = arith.constant 16 : i32
        %mul3A_984 = arith.muli %scan3A_52, %mul3A_983 : i32
        %swap3A_985 = arith.constant 56 : i32
        %swap3A_986 = arith.index_cast %swap3A_985 : i32 to index
        %swap3A_987 = arith.index_cast %mul3A_984 : i32 to index
        %swap3A_988 = tpu.vector_load %arg9[%swap3A_986, %swap3A_987] {strides = array<i32>} : memref<64x128xf32, #tpu.memory_space<vmem>>, vector<16xf32>,
        tpu.vector_store %arg9[%swap3A_986, %swap3A_987], %add3A_982 {strides = array<i32>} : memref<64x128xf32, #tpu.memory_space<vmem>>, vector<16xf32>,
        %broadcast_in_dim3A_989 = arith.constant 57 : i32
        %broadcast_in_dim3A_990 = vector.broadcast %broadcast_in_dim3A_989 : i32 to vector<16xi32>
        %gather3A_991 = tpu.vector_load_idx %arg6[%get3A_59, %broadcast_in_dim3A_990] : memref<512x64xf32, #tpu.memory_space<vmem>>[vector<16xi32>, vector<16xi32>], vector<16xf32>,
        %gather3A_992 = tpu.vector_load_idx %arg6[%get3A_63, %broadcast_in_dim3A_990] : memref<512x64xf32, #tpu.memory_space<vmem>>[vector<16xi32>, vector<16xi32>], vector<16xf32>,
        %gather3A_993 = tpu.vector_load_idx %arg6[%get3A_67, %broadcast_in_dim3A_990] : memref<512x64xf32, #tpu.memory_space<vmem>>[vector<16xi32>, vector<16xi32>], vector<16xf32>,
        %mul3A_994 = arith.mulf %gather3A_991, %get3A_71 : vector<16xf32>
        %mul3A_995 = arith.mulf %gather3A_992, %get3A_75 : vector<16xf32>
        %add3A_996 = arith.addf %mul3A_994, %mul3A_995 : vector<16xf32>
        %mul3A_997 = arith.mulf %gather3A_993, %get3A_79 : vector<16xf32>
        %add3A_998 = arith.addf %add3A_996, %mul3A_997 : vector<16xf32>
        %mul3A_999 = arith.constant 16 : i32
        %mul3A_1000 = arith.muli %scan3A_52, %mul3A_999 : i32
        %swap3A_1001 = arith.constant 57 : i32
        %swap3A_1002 = arith.index_cast %swap3A_1001 : i32 to index
        %swap3A_1003 = arith.index_cast %mul3A_1000 : i32 to index
        %swap3A_1004 = tpu.vector_load %arg9[%swap3A_1002, %swap3A_1003] {strides = array<i32>} : memref<64x128xf32, #tpu.memory_space<vmem>>, vector<16xf32>,
        tpu.vector_store %arg9[%swap3A_1002, %swap3A_1003], %add3A_998 {strides = array<i32>} : memref<64x128xf32, #tpu.memory_space<vmem>>, vector<16xf32>,
        %broadcast_in_dim3A_1005 = arith.constant 58 : i32
        %broadcast_in_dim3A_1006 = vector.broadcast %broadcast_in_dim3A_1005 : i32 to vector<16xi32>
        %gather3A_1007 = tpu.vector_load_idx %arg6[%get3A_59, %broadcast_in_dim3A_1006] : memref<512x64xf32, #tpu.memory_space<vmem>>[vector<16xi32>, vector<16xi32>], vector<16xf32>,
        %gather3A_1008 = tpu.vector_load_idx %arg6[%get3A_63, %broadcast_in_dim3A_1006] : memref<512x64xf32, #tpu.memory_space<vmem>>[vector<16xi32>, vector<16xi32>], vector<16xf32>,
        %gather3A_1009 = tpu.vector_load_idx %arg6[%get3A_67, %broadcast_in_dim3A_1006] : memref<512x64xf32, #tpu.memory_space<vmem>>[vector<16xi32>, vector<16xi32>], vector<16xf32>,
        %mul3A_1010 = arith.mulf %gather3A_1007, %get3A_71 : vector<16xf32>
        %mul3A_1011 = arith.mulf %gather3A_1008, %get3A_75 : vector<16xf32>
        %add3A_1012 = arith.addf %mul3A_1010, %mul3A_1011 : vector<16xf32>
        %mul3A_1013 = arith.mulf %gather3A_1009, %get3A_79 : vector<16xf32>
        %add3A_1014 = arith.addf %add3A_1012, %mul3A_1013 : vector<16xf32>
        %mul3A_1015 = arith.constant 16 : i32
        %mul3A_1016 = arith.muli %scan3A_52, %mul3A_1015 : i32
        %swap3A_1017 = arith.constant 58 : i32
        %swap3A_1018 = arith.index_cast %swap3A_1017 : i32 to index
        %swap3A_1019 = arith.index_cast %mul3A_1016 : i32 to index
        %swap3A_1020 = tpu.vector_load %arg9[%swap3A_1018, %swap3A_1019] {strides = array<i32>} : memref<64x128xf32, #tpu.memory_space<vmem>>, vector<16xf32>,
        tpu.vector_store %arg9[%swap3A_1018, %swap3A_1019], %add3A_1014 {strides = array<i32>} : memref<64x128xf32, #tpu.memory_space<vmem>>, vector<16xf32>,
        %broadcast_in_dim3A_1021 = arith.constant 59 : i32
        %broadcast_in_dim3A_1022 = vector.broadcast %broadcast_in_dim3A_1021 : i32 to vector<16xi32>
        %gather3A_1023 = tpu.vector_load_idx %arg6[%get3A_59, %broadcast_in_dim3A_1022] : memref<512x64xf32, #tpu.memory_space<vmem>>[vector<16xi32>, vector<16xi32>], vector<16xf32>,
        %gather3A_1024 = tpu.vector_load_idx %arg6[%get3A_63, %broadcast_in_dim3A_1022] : memref<512x64xf32, #tpu.memory_space<vmem>>[vector<16xi32>, vector<16xi32>], vector<16xf32>,
        %gather3A_1025 = tpu.vector_load_idx %arg6[%get3A_67, %broadcast_in_dim3A_1022] : memref<512x64xf32, #tpu.memory_space<vmem>>[vector<16xi32>, vector<16xi32>], vector<16xf32>,
        %mul3A_1026 = arith.mulf %gather3A_1023, %get3A_71 : vector<16xf32>
        %mul3A_1027 = arith.mulf %gather3A_1024, %get3A_75 : vector<16xf32>
        %add3A_1028 = arith.addf %mul3A_1026, %mul3A_1027 : vector<16xf32>
        %mul3A_1029 = arith.mulf %gather3A_1025, %get3A_79 : vector<16xf32>
        %add3A_1030 = arith.addf %add3A_1028, %mul3A_1029 : vector<16xf32>
        %mul3A_1031 = arith.constant 16 : i32
        %mul3A_1032 = arith.muli %scan3A_52, %mul3A_1031 : i32
        %swap3A_1033 = arith.constant 59 : i32
        %swap3A_1034 = arith.index_cast %swap3A_1033 : i32 to index
        %swap3A_1035 = arith.index_cast %mul3A_1032 : i32 to index
        %swap3A_1036 = tpu.vector_load %arg9[%swap3A_1034, %swap3A_1035] {strides = array<i32>} : memref<64x128xf32, #tpu.memory_space<vmem>>, vector<16xf32>,
        tpu.vector_store %arg9[%swap3A_1034, %swap3A_1035], %add3A_1030 {strides = array<i32>} : memref<64x128xf32, #tpu.memory_space<vmem>>, vector<16xf32>,
        %broadcast_in_dim3A_1037 = arith.constant 60 : i32
        %broadcast_in_dim3A_1038 = vector.broadcast %broadcast_in_dim3A_1037 : i32 to vector<16xi32>
        %gather3A_1039 = tpu.vector_load_idx %arg6[%get3A_59, %broadcast_in_dim3A_1038] : memref<512x64xf32, #tpu.memory_space<vmem>>[vector<16xi32>, vector<16xi32>], vector<16xf32>,
        %gather3A_1040 = tpu.vector_load_idx %arg6[%get3A_63, %broadcast_in_dim3A_1038] : memref<512x64xf32, #tpu.memory_space<vmem>>[vector<16xi32>, vector<16xi32>], vector<16xf32>,
        %gather3A_1041 = tpu.vector_load_idx %arg6[%get3A_67, %broadcast_in_dim3A_1038] : memref<512x64xf32, #tpu.memory_space<vmem>>[vector<16xi32>, vector<16xi32>], vector<16xf32>,
        %mul3A_1042 = arith.mulf %gather3A_1039, %get3A_71 : vector<16xf32>
        %mul3A_1043 = arith.mulf %gather3A_1040, %get3A_75 : vector<16xf32>
        %add3A_1044 = arith.addf %mul3A_1042, %mul3A_1043 : vector<16xf32>
        %mul3A_1045 = arith.mulf %gather3A_1041, %get3A_79 : vector<16xf32>
        %add3A_1046 = arith.addf %add3A_1044, %mul3A_1045 : vector<16xf32>
        %mul3A_1047 = arith.constant 16 : i32
        %mul3A_1048 = arith.muli %scan3A_52, %mul3A_1047 : i32
        %swap3A_1049 = arith.constant 60 : i32
        %swap3A_1050 = arith.index_cast %swap3A_1049 : i32 to index
        %swap3A_1051 = arith.index_cast %mul3A_1048 : i32 to index
        %swap3A_1052 = tpu.vector_load %arg9[%swap3A_1050, %swap3A_1051] {strides = array<i32>} : memref<64x128xf32, #tpu.memory_space<vmem>>, vector<16xf32>,
        tpu.vector_store %arg9[%swap3A_1050, %swap3A_1051], %add3A_1046 {strides = array<i32>} : memref<64x128xf32, #tpu.memory_space<vmem>>, vector<16xf32>,
        %broadcast_in_dim3A_1053 = arith.constant 61 : i32
        %broadcast_in_dim3A_1054 = vector.broadcast %broadcast_in_dim3A_1053 : i32 to vector<16xi32>
        %gather3A_1055 = tpu.vector_load_idx %arg6[%get3A_59, %broadcast_in_dim3A_1054] : memref<512x64xf32, #tpu.memory_space<vmem>>[vector<16xi32>, vector<16xi32>], vector<16xf32>,
        %gather3A_1056 = tpu.vector_load_idx %arg6[%get3A_63, %broadcast_in_dim3A_1054] : memref<512x64xf32, #tpu.memory_space<vmem>>[vector<16xi32>, vector<16xi32>], vector<16xf32>,
        %gather3A_1057 = tpu.vector_load_idx %arg6[%get3A_67, %broadcast_in_dim3A_1054] : memref<512x64xf32, #tpu.memory_space<vmem>>[vector<16xi32>, vector<16xi32>], vector<16xf32>,
        %mul3A_1058 = arith.mulf %gather3A_1055, %get3A_71 : vector<16xf32>
        %mul3A_1059 = arith.mulf %gather3A_1056, %get3A_75 : vector<16xf32>
        %add3A_1060 = arith.addf %mul3A_1058, %mul3A_1059 : vector<16xf32>
        %mul3A_1061 = arith.mulf %gather3A_1057, %get3A_79 : vector<16xf32>
        %add3A_1062 = arith.addf %add3A_1060, %mul3A_1061 : vector<16xf32>
        %mul3A_1063 = arith.constant 16 : i32
        %mul3A_1064 = arith.muli %scan3A_52, %mul3A_1063 : i32
        %swap3A_1065 = arith.constant 61 : i32
        %swap3A_1066 = arith.index_cast %swap3A_1065 : i32 to index
        %swap3A_1067 = arith.index_cast %mul3A_1064 : i32 to index
        %swap3A_1068 = tpu.vector_load %arg9[%swap3A_1066, %swap3A_1067] {strides = array<i32>} : memref<64x128xf32, #tpu.memory_space<vmem>>, vector<16xf32>,
        tpu.vector_store %arg9[%swap3A_1066, %swap3A_1067], %add3A_1062 {strides = array<i32>} : memref<64x128xf32, #tpu.memory_space<vmem>>, vector<16xf32>,
        %broadcast_in_dim3A_1069 = arith.constant 62 : i32
        %broadcast_in_dim3A_1070 = vector.broadcast %broadcast_in_dim3A_1069 : i32 to vector<16xi32>
        %gather3A_1071 = tpu.vector_load_idx %arg6[%get3A_59, %broadcast_in_dim3A_1070] : memref<512x64xf32, #tpu.memory_space<vmem>>[vector<16xi32>, vector<16xi32>], vector<16xf32>,
        %gather3A_1072 = tpu.vector_load_idx %arg6[%get3A_63, %broadcast_in_dim3A_1070] : memref<512x64xf32, #tpu.memory_space<vmem>>[vector<16xi32>, vector<16xi32>], vector<16xf32>,
        %gather3A_1073 = tpu.vector_load_idx %arg6[%get3A_67, %broadcast_in_dim3A_1070] : memref<512x64xf32, #tpu.memory_space<vmem>>[vector<16xi32>, vector<16xi32>], vector<16xf32>,
        %mul3A_1074 = arith.mulf %gather3A_1071, %get3A_71 : vector<16xf32>
        %mul3A_1075 = arith.mulf %gather3A_1072, %get3A_75 : vector<16xf32>
        %add3A_1076 = arith.addf %mul3A_1074, %mul3A_1075 : vector<16xf32>
        %mul3A_1077 = arith.mulf %gather3A_1073, %get3A_79 : vector<16xf32>
        %add3A_1078 = arith.addf %add3A_1076, %mul3A_1077 : vector<16xf32>
        %mul3A_1079 = arith.constant 16 : i32
        %mul3A_1080 = arith.muli %scan3A_52, %mul3A_1079 : i32
        %swap3A_1081 = arith.constant 62 : i32
        %swap3A_1082 = arith.index_cast %swap3A_1081 : i32 to index
        %swap3A_1083 = arith.index_cast %mul3A_1080 : i32 to index
        %swap3A_1084 = tpu.vector_load %arg9[%swap3A_1082, %swap3A_1083] {strides = array<i32>} : memref<64x128xf32, #tpu.memory_space<vmem>>, vector<16xf32>,
        tpu.vector_store %arg9[%swap3A_1082, %swap3A_1083], %add3A_1078 {strides = array<i32>} : memref<64x128xf32, #tpu.memory_space<vmem>>, vector<16xf32>,
        %broadcast_in_dim3A_1085 = arith.constant 63 : i32
        %broadcast_in_dim3A_1086 = vector.broadcast %broadcast_in_dim3A_1085 : i32 to vector<16xi32>
        %gather3A_1087 = tpu.vector_load_idx %arg6[%get3A_59, %broadcast_in_dim3A_1086] : memref<512x64xf32, #tpu.memory_space<vmem>>[vector<16xi32>, vector<16xi32>], vector<16xf32>,
        %gather3A_1088 = tpu.vector_load_idx %arg6[%get3A_63, %broadcast_in_dim3A_1086] : memref<512x64xf32, #tpu.memory_space<vmem>>[vector<16xi32>, vector<16xi32>], vector<16xf32>,
        %gather3A_1089 = tpu.vector_load_idx %arg6[%get3A_67, %broadcast_in_dim3A_1086] : memref<512x64xf32, #tpu.memory_space<vmem>>[vector<16xi32>, vector<16xi32>], vector<16xf32>,
        %mul3A_1090 = arith.mulf %gather3A_1087, %get3A_71 : vector<16xf32>
        %mul3A_1091 = arith.mulf %gather3A_1088, %get3A_75 : vector<16xf32>
        %add3A_1092 = arith.addf %mul3A_1090, %mul3A_1091 : vector<16xf32>
        %mul3A_1093 = arith.mulf %gather3A_1089, %get3A_79 : vector<16xf32>
        %add3A_1094 = arith.addf %add3A_1092, %mul3A_1093 : vector<16xf32>
        %mul3A_1095 = arith.constant 16 : i32
        %mul3A_1096 = arith.muli %scan3A_52, %mul3A_1095 : i32
        %swap3A_1097 = arith.constant 63 : i32
        %swap3A_1098 = arith.index_cast %swap3A_1097 : i32 to index
        %swap3A_1099 = arith.index_cast %mul3A_1096 : i32 to index
        %swap3A_1100 = tpu.vector_load %arg9[%swap3A_1098, %swap3A_1099] {strides = array<i32>} : memref<64x128xf32, #tpu.memory_space<vmem>>, vector<16xf32>,
        tpu.vector_store %arg9[%swap3A_1098, %swap3A_1099], %add3A_1094 {strides = array<i32>} : memref<64x128xf32, #tpu.memory_space<vmem>>, vector<16xf32>,
        %scan3A_1101 = arith.constant 0 : i32
        scf.yield %scan3A_1101 : i32
      }
      %scan3A_49 = arith.constant 8 : i32
      %add3A_50 = arith.addi %mul3A_32, %mul3A_42 : i32
      "tpu.region"() ({
        %run_scoped3A = tpu.sem_alloc : memref<!tpu.dma_semaphore, #tpu.memory_space<semaphore_mem>>
        %dma_start3A = arith.constant 0 : i32
        %dma_start3A_52 = tpu.memref_slice %arg5[%select_n3A, %dma_start3A, %add3A_50] : memref<8x64x16384xf32, #tpu.memory_space<hbm>> -> memref<1x64x128xf32, #tpu.memory_space<hbm>>
        %dma_start3A_53 = tpu.memref_squeeze %dma_start3A_52 : memref<1x64x128xf32, #tpu.memory_space<hbm>> -> memref<64x128xf32, #tpu.memory_space<hbm>>
        %dma_start3A_54 = arith.constant 0 : i32
        %dma_start3A_55 = tpu.memref_slice %arg5[%select_n3A, %dma_start3A_54, %add3A_50] : memref<8x64x16384xf32, #tpu.memory_space<hbm>> -> memref<1x64x128xf32, #tpu.memory_space<hbm>>
        %dma_start3A_56 = tpu.memref_squeeze %dma_start3A_55 : memref<1x64x128xf32, #tpu.memory_space<hbm>> -> memref<64x128xf32, #tpu.memory_space<hbm>>
        tpu.enqueue_dma source(%arg9 : memref<64x128xf32, #tpu.memory_space<vmem>>) target(%dma_start3A_56 : memref<64x128xf32, #tpu.memory_space<hbm>>) target_semaphore(%run_scoped3A : memref<!tpu.dma_semaphore, #tpu.memory_space<semaphore_mem>>)
        %dma_wait3A = arith.constant 0 : i32
        %dma_wait3A_57 = tpu.memref_slice %arg5[%select_n3A, %dma_wait3A, %add3A_50] : memref<8x64x16384xf32, #tpu.memory_space<hbm>> -> memref<1x64x128xf32, #tpu.memory_space<hbm>>
        %dma_wait3A_58 = tpu.memref_squeeze %dma_wait3A_57 : memref<1x64x128xf32, #tpu.memory_space<hbm>> -> memref<64x128xf32, #tpu.memory_space<hbm>>
        %dma_wait3A_59 = arith.constant 0 : i32
        %dma_wait3A_60 = tpu.memref_slice %arg5[%select_n3A, %dma_wait3A_59, %add3A_50] : memref<8x64x16384xf32, #tpu.memory_space<hbm>> -> memref<1x64x128xf32, #tpu.memory_space<hbm>>
        %dma_wait3A_61 = tpu.memref_squeeze %dma_wait3A_60 : memref<1x64x128xf32, #tpu.memory_space<hbm>> -> memref<64x128xf32, #tpu.memory_space<hbm>>
        tpu.wait_dma2 semaphore(%run_scoped3A : memref<!tpu.dma_semaphore, #tpu.memory_space<semaphore_mem>>) src(%arg9 : memref<64x128xf32, #tpu.memory_space<vmem>>) dst(%dma_wait3A_61 : memref<64x128xf32, #tpu.memory_space<hbm>>)
        tpu.yield
      }) : () -> ()
      %scan3A_51 = arith.constant 0 : i32
      scf.yield %scan3A_51 : i32
    }
    %scan3A_38 = arith.constant 32 : i32
    return
  }
}

module attributes {stable_mosaic.version = 14 : i64} {
  func.func @_topk_kernel(%arg0: i32, %arg1: i32, %arg2: memref<1x4096x8xf32, #tpu.memory_space<vmem>>, %arg3: memref<1x4096x1xf32, #tpu.memory_space<vmem>>, %arg4: memref<1x512x8xf32, #tpu.memory_space<vmem>>, %arg5: memref<1x1x512xf32, #tpu.memory_space<vmem>>, %arg6: memref<1x4096x3xf32, #tpu.memory_space<vmem>>, %arg7: memref<1x4096x3xf32, #tpu.memory_space<vmem>>) attributes {dimension_semantics = [#tpu.dimension_semantics<arbitrary>, #tpu.dimension_semantics<arbitrary>], iteration_bounds = array<i64: 8, 4>, scalar_prefetch = 0 : i64, scratch_operands = 0 : i64, tpu.core_type = #tpu.core_type<tc>, window_params = [{transform_indices = @transform_0, window_bounds = array<i64: 1, 4096, 8>}, {transform_indices = @transform_1, window_bounds = array<i64: 1, 4096, 1>}, {transform_indices = @transform_2, window_bounds = array<i64: 1, 512, 8>}, {transform_indices = @transform_3, window_bounds = array<i64: 1, 1, 512>}, {transform_indices = @transform_4, window_bounds = array<i64: 1, 4096, 3>}, {transform_indices = @transform_5, window_bounds = array<i64: 1, 4096, 3>}]} {
    %get3A = arith.constant 0 : index
    %get3A_0 = arith.constant 0 : index
    %get3A_1 = arith.constant 0 : index
    %get3A_2 = vector.load %arg2[%get3A, %get3A_0, %get3A_1] : memref<1x4096x8xf32, #tpu.memory_space<vmem>>, vector<1x4096x8xf32>
    %get3A_3 = vector.shape_cast %get3A_2 : vector<1x4096x8xf32> to vector<4096x8xf32>
    %get3A_4 = arith.constant 0 : index
    %get3A_5 = arith.constant 0 : index
    %get3A_6 = arith.constant 0 : index
    %get3A_7 = vector.load %arg4[%get3A_4, %get3A_5, %get3A_6] : memref<1x512x8xf32, #tpu.memory_space<vmem>>, vector<1x512x8xf32>
    %get3A_8 = vector.shape_cast %get3A_7 : vector<1x512x8xf32> to vector<512x8xf32>
    %transpose3A = tpu.transpose %get3A_8, [1, 0] : vector<512x8xf32> -> vector<8x512xf32>
    %dot_general3A = arith.constant dense<0.000000e+00> : vector<4096x512xf32>
    %dot_general3A_9 = tpu.matmul %get3A_3, %transpose3A, %dot_general3A {dimension_numbers = #tpu.dot_dimension_numbers<[1], [0], [0], [1], [0, 0, 1, 1], [], []>, transpose_lhs_hint = false} : vector<4096x8xf32>, vector<8x512xf32>, vector<4096x512xf32> -> vector<4096x512xf32>
    %get3A_10 = arith.constant 0 : index
    %get3A_11 = arith.constant 0 : index
    %get3A_12 = arith.constant 0 : index
    %get3A_13 = vector.load %arg3[%get3A_10, %get3A_11, %get3A_12] : memref<1x4096x1xf32, #tpu.memory_space<vmem>>, vector<1x4096x1xf32>
    %get3A_14 = vector.shape_cast %get3A_13 : vector<1x4096x1xf32> to vector<4096x1xf32>
    %get3A_15 = arith.constant 0 : index
    %get3A_16 = arith.constant 0 : index
    %get3A_17 = arith.constant 0 : index
    %get3A_18 = vector.load %arg5[%get3A_15, %get3A_16, %get3A_17] : memref<1x1x512xf32, #tpu.memory_space<vmem>>, vector<1x1x512xf32>
    %get3A_19 = vector.shape_cast %get3A_18 : vector<1x1x512xf32> to vector<1x512xf32>
    %add3A = vector.broadcast %get3A_14 : vector<4096x1xf32> to vector<4096x512xf32>
    %add3A_20 = vector.broadcast %get3A_19 : vector<1x512xf32> to vector<4096x512xf32>
    %add3A_21 = arith.addf %add3A, %add3A_20 : vector<4096x512xf32>
    %mul3A = arith.constant 2.000000e+00 : f32
    %mul3A_22 = vector.broadcast %mul3A : f32 to vector<4096x512xf32>
    %mul3A_23 = arith.mulf %mul3A_22, %dot_general3A_9 : vector<4096x512xf32>
    %sub3A = arith.subf %add3A_21, %mul3A_23 : vector<4096x512xf32>
    %iota3A = tpu.iota {dimensions = array<i32: 1>} : vector<4096x512xi32>
    %broadcast_in_dim3A = arith.constant 0.000000e+00 : f32
    %broadcast_in_dim3A_24 = vector.broadcast %broadcast_in_dim3A : f32 to vector<4096x1xf32>
    %reduce_min3A = arith.constant dense<0x7F800000> : vector<4096xf32>
    %reduce_min3A_25 = vector.multi_reduction <minimumf>, %sub3A, %reduce_min3A [1] : vector<4096x512xf32> to vector<4096xf32>
    %broadcast_in_dim3A_26 = vector.shape_cast %reduce_min3A_25 : vector<4096xf32> to vector<4096x1xf32>
    %eq3A = vector.broadcast %broadcast_in_dim3A_26 : vector<4096x1xf32> to vector<4096x512xf32>
    %eq3A_27 = arith.cmpf oeq, %sub3A, %eq3A : vector<4096x512xf32>
    %jit3A = arith.constant 512 : i32
    %broadcast_in_dim3A_28 = vector.broadcast %jit3A : i32 to vector<4096x512xi32>
    %select_n3A = arith.select %eq3A_27, %iota3A, %broadcast_in_dim3A_28 : vector<4096x512xi1>, vector<4096x512xi32>
    %reduce_min3A_29 = arith.constant dense<2147483647> : vector<4096xi32>
    %reduce_min3A_30 = vector.multi_reduction <minsi>, %select_n3A, %reduce_min3A_29 [1] : vector<4096x512xi32> to vector<4096xi32>
    %broadcast_in_dim3A_31 = vector.shape_cast %reduce_min3A_30 : vector<4096xi32> to vector<4096x1xi32>
    %convert_element_type3A = arith.sitofp %broadcast_in_dim3A_31 : vector<4096x1xi32> to vector<4096x1xf32>
    %max3A = arith.constant 0.000000e+00 : f32
    %max3A_32 = vector.broadcast %max3A : f32 to vector<4096x1xf32>
    %max3A_33 = arith.maximumf %broadcast_in_dim3A_26, %max3A_32 : vector<4096x1xf32>
    %sqrt3A = math.sqrt %max3A_33 : vector<4096x1xf32>
    %max3A_34 = arith.constant 1.000000e-10 : f32
    %max3A_35 = vector.broadcast %max3A_34 : f32 to vector<4096x1xf32>
    %max3A_36 = arith.maximumf %sqrt3A, %max3A_35 : vector<4096x1xf32>
    %div3A = arith.constant 1.000000e+00 : f32
    %div3A_37 = vector.broadcast %div3A : f32 to vector<4096x1xf32>
    %div3A_38 = arith.divf %div3A_37, %max3A_36 : vector<4096x1xf32>
    %add3A_39 = arith.addf %broadcast_in_dim3A_24, %div3A_38 : vector<4096x1xf32>
    %swap3A = arith.constant 0 : index
    %swap3A_40 = arith.constant 0 : index
    %swap3A_41 = arith.constant 0 : index
    %swap3A_42 = vector.load %arg6[%swap3A, %swap3A_40, %swap3A_41] : memref<1x4096x3xf32, #tpu.memory_space<vmem>>, vector<1x4096x1xf32>
    %swap3A_43 = vector.shape_cast %swap3A_42 : vector<1x4096x1xf32> to vector<4096x1xf32>
    %swap3A_44 = vector.shape_cast %convert_element_type3A : vector<4096x1xf32> to vector<1x4096x1xf32>
    tpu.vector_store %arg6[%swap3A, %swap3A_40, %swap3A_41], %swap3A_44 {strides = array<i32>} : memref<1x4096x3xf32, #tpu.memory_space<vmem>>, vector<1x4096x1xf32>,
    %jit3A_45 = arith.constant 0x7F800000 : f32
    %broadcast_in_dim3A_46 = vector.broadcast %jit3A_45 : f32 to vector<4096x512xf32>
    %select_n3A_47 = arith.select %eq3A_27, %broadcast_in_dim3A_46, %sub3A : vector<4096x512xi1>, vector<4096x512xf32>
    %reduce_min3A_48 = arith.constant dense<0x7F800000> : vector<4096xf32>
    %reduce_min3A_49 = vector.multi_reduction <minimumf>, %select_n3A_47, %reduce_min3A_48 [1] : vector<4096x512xf32> to vector<4096xf32>
    %broadcast_in_dim3A_50 = vector.shape_cast %reduce_min3A_49 : vector<4096xf32> to vector<4096x1xf32>
    %eq3A_51 = vector.broadcast %broadcast_in_dim3A_50 : vector<4096x1xf32> to vector<4096x512xf32>
    %eq3A_52 = arith.cmpf oeq, %select_n3A_47, %eq3A_51 : vector<4096x512xf32>
    %jit3A_53 = arith.constant 512 : i32
    %broadcast_in_dim3A_54 = vector.broadcast %jit3A_53 : i32 to vector<4096x512xi32>
    %select_n3A_55 = arith.select %eq3A_52, %iota3A, %broadcast_in_dim3A_54 : vector<4096x512xi1>, vector<4096x512xi32>
    %reduce_min3A_56 = arith.constant dense<2147483647> : vector<4096xi32>
    %reduce_min3A_57 = vector.multi_reduction <minsi>, %select_n3A_55, %reduce_min3A_56 [1] : vector<4096x512xi32> to vector<4096xi32>
    %broadcast_in_dim3A_58 = vector.shape_cast %reduce_min3A_57 : vector<4096xi32> to vector<4096x1xi32>
    %convert_element_type3A_59 = arith.sitofp %broadcast_in_dim3A_58 : vector<4096x1xi32> to vector<4096x1xf32>
    %max3A_60 = arith.constant 0.000000e+00 : f32
    %max3A_61 = vector.broadcast %max3A_60 : f32 to vector<4096x1xf32>
    %max3A_62 = arith.maximumf %broadcast_in_dim3A_50, %max3A_61 : vector<4096x1xf32>
    %sqrt3A_63 = math.sqrt %max3A_62 : vector<4096x1xf32>
    %max3A_64 = arith.constant 1.000000e-10 : f32
    %max3A_65 = vector.broadcast %max3A_64 : f32 to vector<4096x1xf32>
    %max3A_66 = arith.maximumf %sqrt3A_63, %max3A_65 : vector<4096x1xf32>
    %div3A_67 = arith.constant 1.000000e+00 : f32
    %div3A_68 = vector.broadcast %div3A_67 : f32 to vector<4096x1xf32>
    %div3A_69 = arith.divf %div3A_68, %max3A_66 : vector<4096x1xf32>
    %add3A_70 = arith.addf %add3A_39, %div3A_69 : vector<4096x1xf32>
    %swap3A_71 = arith.constant 0 : index
    %swap3A_72 = arith.constant 0 : index
    %swap3A_73 = arith.constant 1 : index
    %swap3A_74 = vector.load %arg6[%swap3A_71, %swap3A_72, %swap3A_73] : memref<1x4096x3xf32, #tpu.memory_space<vmem>>, vector<1x4096x1xf32>
    %swap3A_75 = vector.shape_cast %swap3A_74 : vector<1x4096x1xf32> to vector<4096x1xf32>
    %swap3A_76 = vector.shape_cast %convert_element_type3A_59 : vector<4096x1xf32> to vector<1x4096x1xf32>
    tpu.vector_store %arg6[%swap3A_71, %swap3A_72, %swap3A_73], %swap3A_76 {strides = array<i32>} : memref<1x4096x3xf32, #tpu.memory_space<vmem>>, vector<1x4096x1xf32>,
    %jit3A_77 = arith.constant 0x7F800000 : f32
    %broadcast_in_dim3A_78 = vector.broadcast %jit3A_77 : f32 to vector<4096x512xf32>
    %select_n3A_79 = arith.select %eq3A_52, %broadcast_in_dim3A_78, %select_n3A_47 : vector<4096x512xi1>, vector<4096x512xf32>
    %reduce_min3A_80 = arith.constant dense<0x7F800000> : vector<4096xf32>
    %reduce_min3A_81 = vector.multi_reduction <minimumf>, %select_n3A_79, %reduce_min3A_80 [1] : vector<4096x512xf32> to vector<4096xf32>
    %broadcast_in_dim3A_82 = vector.shape_cast %reduce_min3A_81 : vector<4096xf32> to vector<4096x1xf32>
    %eq3A_83 = vector.broadcast %broadcast_in_dim3A_82 : vector<4096x1xf32> to vector<4096x512xf32>
    %eq3A_84 = arith.cmpf oeq, %select_n3A_79, %eq3A_83 : vector<4096x512xf32>
    %jit3A_85 = arith.constant 512 : i32
    %broadcast_in_dim3A_86 = vector.broadcast %jit3A_85 : i32 to vector<4096x512xi32>
    %select_n3A_87 = arith.select %eq3A_84, %iota3A, %broadcast_in_dim3A_86 : vector<4096x512xi1>, vector<4096x512xi32>
    %reduce_min3A_88 = arith.constant dense<2147483647> : vector<4096xi32>
    %reduce_min3A_89 = vector.multi_reduction <minsi>, %select_n3A_87, %reduce_min3A_88 [1] : vector<4096x512xi32> to vector<4096xi32>
    %broadcast_in_dim3A_90 = vector.shape_cast %reduce_min3A_89 : vector<4096xi32> to vector<4096x1xi32>
    %convert_element_type3A_91 = arith.sitofp %broadcast_in_dim3A_90 : vector<4096x1xi32> to vector<4096x1xf32>
    %max3A_92 = arith.constant 0.000000e+00 : f32
    %max3A_93 = vector.broadcast %max3A_92 : f32 to vector<4096x1xf32>
    %max3A_94 = arith.maximumf %broadcast_in_dim3A_82, %max3A_93 : vector<4096x1xf32>
    %sqrt3A_95 = math.sqrt %max3A_94 : vector<4096x1xf32>
    %max3A_96 = arith.constant 1.000000e-10 : f32
    %max3A_97 = vector.broadcast %max3A_96 : f32 to vector<4096x1xf32>
    %max3A_98 = arith.maximumf %sqrt3A_95, %max3A_97 : vector<4096x1xf32>
    %div3A_99 = arith.constant 1.000000e+00 : f32
    %div3A_100 = vector.broadcast %div3A_99 : f32 to vector<4096x1xf32>
    %div3A_101 = arith.divf %div3A_100, %max3A_98 : vector<4096x1xf32>
    %add3A_102 = arith.addf %add3A_70, %div3A_101 : vector<4096x1xf32>
    %swap3A_103 = arith.constant 0 : index
    %swap3A_104 = arith.constant 0 : index
    %swap3A_105 = arith.constant 2 : index
    %swap3A_106 = vector.load %arg6[%swap3A_103, %swap3A_104, %swap3A_105] : memref<1x4096x3xf32, #tpu.memory_space<vmem>>, vector<1x4096x1xf32>
    %swap3A_107 = vector.shape_cast %swap3A_106 : vector<1x4096x1xf32> to vector<4096x1xf32>
    %swap3A_108 = vector.shape_cast %convert_element_type3A_91 : vector<4096x1xf32> to vector<1x4096x1xf32>
    tpu.vector_store %arg6[%swap3A_103, %swap3A_104, %swap3A_105], %swap3A_108 {strides = array<i32>} : memref<1x4096x3xf32, #tpu.memory_space<vmem>>, vector<1x4096x1xf32>,
    %div3A_109 = arith.divf %div3A_38, %add3A_102 : vector<4096x1xf32>
    %swap3A_110 = arith.constant 0 : index
    %swap3A_111 = arith.constant 0 : index
    %swap3A_112 = arith.constant 0 : index
    %swap3A_113 = vector.load %arg7[%swap3A_110, %swap3A_111, %swap3A_112] : memref<1x4096x3xf32, #tpu.memory_space<vmem>>, vector<1x4096x1xf32>
    %swap3A_114 = vector.shape_cast %swap3A_113 : vector<1x4096x1xf32> to vector<4096x1xf32>
    %swap3A_115 = vector.shape_cast %div3A_109 : vector<4096x1xf32> to vector<1x4096x1xf32>
    tpu.vector_store %arg7[%swap3A_110, %swap3A_111, %swap3A_112], %swap3A_115 {strides = array<i32>} : memref<1x4096x3xf32, #tpu.memory_space<vmem>>, vector<1x4096x1xf32>,
    %div3A_116 = arith.divf %div3A_69, %add3A_102 : vector<4096x1xf32>
    %swap3A_117 = arith.constant 0 : index
    %swap3A_118 = arith.constant 0 : index
    %swap3A_119 = arith.constant 1 : index
    %swap3A_120 = vector.load %arg7[%swap3A_117, %swap3A_118, %swap3A_119] : memref<1x4096x3xf32, #tpu.memory_space<vmem>>, vector<1x4096x1xf32>
    %swap3A_121 = vector.shape_cast %swap3A_120 : vector<1x4096x1xf32> to vector<4096x1xf32>
    %swap3A_122 = vector.shape_cast %div3A_116 : vector<4096x1xf32> to vector<1x4096x1xf32>
    tpu.vector_store %arg7[%swap3A_117, %swap3A_118, %swap3A_119], %swap3A_122 {strides = array<i32>} : memref<1x4096x3xf32, #tpu.memory_space<vmem>>, vector<1x4096x1xf32>,
    %div3A_123 = arith.divf %div3A_101, %add3A_102 : vector<4096x1xf32>
    %swap3A_124 = arith.constant 0 : index
    %swap3A_125 = arith.constant 0 : index
    %swap3A_126 = arith.constant 2 : index
    %swap3A_127 = vector.load %arg7[%swap3A_124, %swap3A_125, %swap3A_126] : memref<1x4096x3xf32, #tpu.memory_space<vmem>>, vector<1x4096x1xf32>
    %swap3A_128 = vector.shape_cast %swap3A_127 : vector<1x4096x1xf32> to vector<4096x1xf32>
    %swap3A_129 = vector.shape_cast %div3A_123 : vector<4096x1xf32> to vector<1x4096x1xf32>
    tpu.vector_store %arg7[%swap3A_124, %swap3A_125, %swap3A_126], %swap3A_129 {strides = array<i32>} : memref<1x4096x3xf32, #tpu.memory_space<vmem>>, vector<1x4096x1xf32>,
    return
  }
  func.func @transform_0(%arg0: i32, %arg1: i32) -> (i32, i32, i32) {
    %c0_i32 = arith.constant 0 : i32
    %c0_i32_0 = arith.constant 0 : i32
    return %arg0, %arg1, %c0_i32 : i32, i32, i32
  }
  func.func @transform_1(%arg0: i32, %arg1: i32) -> (i32, i32, i32) {
    %c0_i32 = arith.constant 0 : i32
    %c0_i32_0 = arith.constant 0 : i32
    return %arg0, %arg1, %c0_i32 : i32, i32, i32
  }
  func.func @transform_2(%arg0: i32, %arg1: i32) -> (i32, i32, i32) {
    %c0_i32 = arith.constant 0 : i32
    %c0_i32_0 = arith.constant 0 : i32
    %c0_i32_1 = arith.constant 0 : i32
    return %arg0, %c0_i32, %c0_i32_0 : i32, i32, i32
  }
  func.func @transform_3(%arg0: i32, %arg1: i32) -> (i32, i32, i32) {
    %c0_i32 = arith.constant 0 : i32
    %c0_i32_0 = arith.constant 0 : i32
    %c0_i32_1 = arith.constant 0 : i32
    return %arg0, %c0_i32, %c0_i32_0 : i32, i32, i32
  }
  func.func @transform_4(%arg0: i32, %arg1: i32) -> (i32, i32, i32) {
    %c0_i32 = arith.constant 0 : i32
    %c0_i32_0 = arith.constant 0 : i32
    return %arg0, %arg1, %c0_i32 : i32, i32, i32
  }
  func.func @transform_5(%arg0: i32, %arg1: i32) -> (i32, i32, i32) {
    %c0_i32 = arith.constant 0 : i32
    %c0_i32_0 = arith.constant 0 : i32
    return %arg0, %arg1, %c0_i32 : i32, i32, i32
  }
}

module attributes {stable_mosaic.version = 14 : i64} {
  func.func @_mlp_kernel(%arg0: i32, %arg1: i32, %arg2: memref<1x4096x64xf32, #tpu.memory_space<vmem>>, %arg3: memref<1x64x4096xf32, #tpu.memory_space<vmem>>, %arg4: memref<64x128xf32, #tpu.memory_space<vmem>>, %arg5: memref<64x128xf32, #tpu.memory_space<vmem>>, %arg6: memref<1x128xf32, #tpu.memory_space<vmem>>, %arg7: memref<128x128xf32, #tpu.memory_space<vmem>>, %arg8: memref<1x128xf32, #tpu.memory_space<vmem>>, %arg9: memref<1x4096x128xf32, #tpu.memory_space<vmem>>) attributes {dimension_semantics = [#tpu.dimension_semantics<arbitrary>, #tpu.dimension_semantics<arbitrary>], iteration_bounds = array<i64: 8, 4>, scalar_prefetch = 0 : i64, scratch_operands = 0 : i64, tpu.core_type = #tpu.core_type<tc>, window_params = [{transform_indices = @transform_0, window_bounds = array<i64: 1, 4096, 64>}, {transform_indices = @transform_1, window_bounds = array<i64: 1, 64, 4096>}, {pipeline_mode = #tpu.pipeline_mode<synchronous>, transform_indices = @transform_2, window_bounds = array<i64: 64, 128>}, {pipeline_mode = #tpu.pipeline_mode<synchronous>, transform_indices = @transform_3, window_bounds = array<i64: 64, 128>}, {pipeline_mode = #tpu.pipeline_mode<synchronous>, transform_indices = @transform_4, window_bounds = array<i64: 1, 128>}, {pipeline_mode = #tpu.pipeline_mode<synchronous>, transform_indices = @transform_5, window_bounds = array<i64: 128, 128>}, {pipeline_mode = #tpu.pipeline_mode<synchronous>, transform_indices = @transform_6, window_bounds = array<i64: 1, 128>}, {transform_indices = @transform_7, window_bounds = array<i64: 1, 4096, 128>}]} {
    %get3A = arith.constant 0 : index
    %get3A_0 = arith.constant 0 : index
    %get3A_1 = arith.constant 0 : index
    %get3A_2 = vector.load %arg2[%get3A, %get3A_0, %get3A_1] : memref<1x4096x64xf32, #tpu.memory_space<vmem>>, vector<1x4096x64xf32>
    %get3A_3 = vector.shape_cast %get3A_2 : vector<1x4096x64xf32> to vector<4096x64xf32>
    %get3A_4 = arith.constant 0 : index
    %get3A_5 = arith.constant 0 : index
    %get3A_6 = arith.constant 0 : index
    %get3A_7 = vector.load %arg3[%get3A_4, %get3A_5, %get3A_6] : memref<1x64x4096xf32, #tpu.memory_space<vmem>>, vector<1x64x4096xf32>
    %get3A_8 = vector.shape_cast %get3A_7 : vector<1x64x4096xf32> to vector<64x4096xf32>
    %get3A_9 = arith.constant 0 : index
    %get3A_10 = arith.constant 0 : index
    %get3A_11 = vector.load %arg4[%get3A_9, %get3A_10] : memref<64x128xf32, #tpu.memory_space<vmem>>, vector<64x128xf32>
    %dot_general3A = arith.constant dense<0.000000e+00> : vector<4096x128xf32>
    %dot_general3A_12 = tpu.matmul %get3A_3, %get3A_11, %dot_general3A {dimension_numbers = #tpu.dot_dimension_numbers<[1], [0], [0], [1], [0, 0, 1, 1], [], []>, transpose_lhs_hint = false} : vector<4096x64xf32>, vector<64x128xf32>, vector<4096x128xf32> -> vector<4096x128xf32>
    %get3A_13 = arith.constant 0 : index
    %get3A_14 = arith.constant 0 : index
    %get3A_15 = vector.load %arg5[%get3A_13, %get3A_14] : memref<64x128xf32, #tpu.memory_space<vmem>>, vector<64x128xf32>
    %dot_general3A_16 = arith.constant dense<0.000000e+00> : vector<4096x128xf32>
    %dot_general3A_17 = tpu.matmul %get3A_8, %get3A_15, %dot_general3A_16 {dimension_numbers = #tpu.dot_dimension_numbers<[0], [0], [1], [1], [0, 1, 1, 1], [], []>, transpose_lhs_hint = false} : vector<64x4096xf32>, vector<64x128xf32>, vector<4096x128xf32> -> vector<4096x128xf32>
    %add3A = arith.addf %dot_general3A_12, %dot_general3A_17 : vector<4096x128xf32>
    %get3A_18 = arith.constant 0 : index
    %get3A_19 = arith.constant 0 : index
    %get3A_20 = vector.load %arg6[%get3A_18, %get3A_19] : memref<1x128xf32, #tpu.memory_space<vmem>>, vector<1x128xf32>
    %add3A_21 = vector.broadcast %get3A_20 : vector<1x128xf32> to vector<4096x128xf32>
    %add3A_22 = arith.addf %add3A, %add3A_21 : vector<4096x128xf32>
    %max3A = arith.constant 0.000000e+00 : f32
    %max3A_23 = vector.broadcast %max3A : f32 to vector<4096x128xf32>
    %max3A_24 = arith.maximumf %add3A_22, %max3A_23 : vector<4096x128xf32>
    %get3A_25 = arith.constant 0 : index
    %get3A_26 = arith.constant 0 : index
    %get3A_27 = vector.load %arg7[%get3A_25, %get3A_26] : memref<128x128xf32, #tpu.memory_space<vmem>>, vector<128x128xf32>
    %dot_general3A_28 = arith.constant dense<0.000000e+00> : vector<4096x128xf32>
    %dot_general3A_29 = tpu.matmul %max3A_24, %get3A_27, %dot_general3A_28 {dimension_numbers = #tpu.dot_dimension_numbers<[1], [0], [0], [1], [0, 0, 1, 1], [], []>, transpose_lhs_hint = false} : vector<4096x128xf32>, vector<128x128xf32>, vector<4096x128xf32> -> vector<4096x128xf32>
    %get3A_30 = arith.constant 0 : index
    %get3A_31 = arith.constant 0 : index
    %get3A_32 = vector.load %arg8[%get3A_30, %get3A_31] : memref<1x128xf32, #tpu.memory_space<vmem>>, vector<1x128xf32>
    %add3A_33 = vector.broadcast %get3A_32 : vector<1x128xf32> to vector<4096x128xf32>
    %add3A_34 = arith.addf %dot_general3A_29, %add3A_33 : vector<4096x128xf32>
    %max3A_35 = arith.constant 0.000000e+00 : f32
    %max3A_36 = vector.broadcast %max3A_35 : f32 to vector<4096x128xf32>
    %max3A_37 = arith.maximumf %add3A_34, %max3A_36 : vector<4096x128xf32>
    %swap3A = arith.constant 0 : index
    %swap3A_38 = arith.constant 0 : index
    %swap3A_39 = arith.constant 0 : index
    %swap3A_40 = vector.load %arg9[%swap3A, %swap3A_38, %swap3A_39] : memref<1x4096x128xf32, #tpu.memory_space<vmem>>, vector<1x4096x128xf32>
    %swap3A_41 = vector.shape_cast %swap3A_40 : vector<1x4096x128xf32> to vector<4096x128xf32>
    %swap3A_42 = vector.shape_cast %max3A_37 : vector<4096x128xf32> to vector<1x4096x128xf32>
    tpu.vector_store %arg9[%swap3A, %swap3A_38, %swap3A_39], %swap3A_42 {strides = array<i32>} : memref<1x4096x128xf32, #tpu.memory_space<vmem>>, vector<1x4096x128xf32>,
    return
  }
  func.func @transform_0(%arg0: i32, %arg1: i32) -> (i32, i32, i32) {
    %c0_i32 = arith.constant 0 : i32
    %c0_i32_0 = arith.constant 0 : i32
    return %arg0, %arg1, %c0_i32 : i32, i32, i32
  }
  func.func @transform_1(%arg0: i32, %arg1: i32) -> (i32, i32, i32) {
    %c0_i32 = arith.constant 0 : i32
    %c0_i32_0 = arith.constant 0 : i32
    return %arg0, %c0_i32, %arg1 : i32, i32, i32
  }
  func.func @transform_2(%arg0: i32, %arg1: i32) -> (i32, i32) {
    %c0_i32 = arith.constant 0 : i32
    %c0_i32_0 = arith.constant 0 : i32
    %c0_i32_1 = arith.constant 0 : i32
    return %c0_i32, %c0_i32_0 : i32, i32
  }
  func.func @transform_3(%arg0: i32, %arg1: i32) -> (i32, i32) {
    %c0_i32 = arith.constant 0 : i32
    %c0_i32_0 = arith.constant 0 : i32
    %c0_i32_1 = arith.constant 0 : i32
    return %c0_i32, %c0_i32_0 : i32, i32
  }
  func.func @transform_4(%arg0: i32, %arg1: i32) -> (i32, i32) {
    %c0_i32 = arith.constant 0 : i32
    %c0_i32_0 = arith.constant 0 : i32
    %c0_i32_1 = arith.constant 0 : i32
    return %c0_i32, %c0_i32_0 : i32, i32
  }
  func.func @transform_5(%arg0: i32, %arg1: i32) -> (i32, i32) {
    %c0_i32 = arith.constant 0 : i32
    %c0_i32_0 = arith.constant 0 : i32
    %c0_i32_1 = arith.constant 0 : i32
    return %c0_i32, %c0_i32_0 : i32, i32
  }
  func.func @transform_6(%arg0: i32, %arg1: i32) -> (i32, i32) {
    %c0_i32 = arith.constant 0 : i32
    %c0_i32_0 = arith.constant 0 : i32
    %c0_i32_1 = arith.constant 0 : i32
    return %c0_i32, %c0_i32_0 : i32, i32
  }
  func.func @transform_7(%arg0: i32, %arg1: i32) -> (i32, i32, i32) {
    %c0_i32 = arith.constant 0 : i32
    %c0_i32_0 = arith.constant 0 : i32
    return %arg0, %arg1, %c0_i32 : i32, i32, i32
  }
}

</mosaic_0001>

<sc_bundles>
// kernel: kernel.5.cloned.1.call-start
scs
__scs_entry_jumppad:
0x0: {  	(pc) =	sbr.rel $0x88, $3  }
0x1: {  	(tag) =	ssettag $0x0;
	lr =	simm.s32 $0x1  }
0x2: {  	[smem:$0x3F99] =	sst lr;
	_ =	strace $0xD0000000  }
0x3: {  	_ = 	snop  }
0x4: {  	_ = 	snop  }
0x5: {  	_ = 	snop  }
0x6: {  	_ = 	snop  }
0x7: {  	_ = 	snop  }
__scs_overlays_trampoline_lowered:
0x8: {  	[smem:$0x3FA8] =	sst s0  }
0x9: {  	[smem:$0x3FA9] =	sst s1  }
0xa: {  	[smem:$0x3FAA] =	sst s2  }
0xb: {  	[smem:$0x3FAB] =	sst s3  }
0xc: {  	[smem:$0x3FAC] =	sst s4  }
0xd: {  	[smem:$0x3FAD] =	sst s5  }
0xe: {  	[smem:$0x3FAE] =	sst s6  }
0xf: {  	[smem:$0x3FAF] =	sst s7  }
0x10: {  	[smem:$0x3FB0] =	sst s8  }
0x11: {  	[smem:$0x3FB1] =	sst s9;
	s0 =	simm.s32 @!p0 $0x0  }
0x12: {  	s1 =	sld [smem:$0x3F97];
	s0 =	simm.s32 @p0 $0x1  }
0x13: {  	[smem:$0x3FB2] =	sst s0;
	s0 =	simm.s32 @!p1 $0x0  }
0x14: {  	s2 =	sld [smem:$0x3F96];
	s0 =	simm.s32 @p1 $0x1  }
0x15: {  	[smem:$0x3FB3] =	sst s0;
	s0 =	simm.s32 @!p2 $0x0  }
0x16: {  	s3 =	sld [smem:$0x3FDB];
	s0 =	simm.s32 @p2 $0x1  }
0x17: {  	s4 =	simm.s32 $0x1BF5;
	[smem:$0x3FB5] =	sst s0  }
0x18: {  	s0 =	sld [smem:$0x3F98];
	_ =	swait.ge [sflag:s4], $0x0  }
0x19: {  	s7 =	sld [smem:$0x3F99]  }
0x1a: {  	s8 =	sadd.s32 $0xFFFFE003, lr  }
0x1b: {  	s9 =	sadd.s32 $0xFFFFFEF7, lr;
	s5 =	simm.s32 $0xFFFFFFFF;
	p2 =	slt.u32 s8, $0xFFFFF086  }
0x1c: {  	p1 =	slt.u32 s9, $0xF7A;
	s5 =	simm.s32 @!p2 $0x0  }
0x1d: {  	s5 =	simm.s32 @p1 $0x1;
	p0 =	seq.s32 s7, s2  }
0x1e: {  	s7 =	smul.u32 @!p0 $0xF7A, s2;
	p2 =	seq.s32 @!p0 s5, $0x0  }
0x1f: {  	s9 =	smul.u32 $0xF7A, s1;
	s8 =	simm.s32 @!p0 $0x1BF5;
	p2 =	por !p2, p0  }
0x20: {  	[sflag:s8] =	ssyncset.s32 @!p0 $0xFFFFF086;
	s6 =	sadd.s32 @!p0 s3, s7;
	s7 =	simm.s32 @!p0 $0x108  }
0x21: {  	s3 =	sadd.s32 s3, s9;
	s6 =	sadd.s32 @!p0 $0x88, s6;
	s7 =	simm.s32 @p2 $0x1082  }
0x22: {  	[simem:s7], [sflag:s8] =	dma.local @!p0 [hbm:s6], $0xF7A  }
0x23: {  	s9 =	sor.u32 $0xD0000000, s2;
	s6 =	simm.s32 $0x108;
	_ =	swait.ge @!p0 [sflag:s8], $0x0  }
0x24: {  	s3 =	sadd.s32 $0x88, s3;
	s6 =	simm.s32 @!p1 $0x1082;
	[sflag:s4] =	ssyncset.s32 $0xFFFFF086  }
0x25: {  	[simem:s6], [sflag:s4] =	dma.local [hbm:s3], $0xF7A  }
0x26: {  	[smem:$0x3F99] =	sst s1;
	(tag) =	ssettag s2;
	_ =	strace s9  }
0x27: {  	s1 =	sld [smem:$0x3FA9]  }
0x28: {  	s2 =	sld [smem:$0x3FAA]  }
0x29: {  	s4 =	sld [smem:$0x3FAC]  }
0x2a: {  	p0 =	seq.s32 s5, $0x0;
	s5 =	sld [smem:$0x3FAD]  }
0x2b: {  	s6 =	sld [smem:$0x3FAE]  }
0x2c: {  	s7 =	sld [smem:$0x3FAF]  }
0x2d: {  	s3 =	simm.s32 $0x108;
	s8 =	sld [smem:$0x3FB0]  }
0x2e: {  	s3 =	simm.s32 @!p0 $0x1082;
	s9 =	sld [smem:$0x3FB1]  }
0x2f: {  	lr =	sadd.s32 s0, s3;
	s0 =	sld [smem:$0x3FA8]  }
0x30: {  	s3 =	sld [smem:$0x3FAB]  }
0x31: {  	[smem:$0x3FB4] =	sst s10  }
0x32: {  	s10 =	sld [smem:$0x3FB2];
	_ =	sdelay $0x3  }
0x33: {  	p0 =	seq.s32 s10, $0x1;
	s10 =	sld [smem:$0x3FB4];
	_ =	sdelay $0x3  }
0x34: {  	[smem:$0x3FB4] =	sst s10  }
0x35: {  	s10 =	sld [smem:$0x3FB3];
	_ =	sdelay $0x3  }
0x36: {  	p1 =	seq.s32 s10, $0x1;
	s10 =	sld [smem:$0x3FB4];
	_ =	sdelay $0x3  }
0x37: {  	[smem:$0x3FB4] =	sst s10  }
0x38: {  	s10 =	sld [smem:$0x3FB5]  }
0x39: {  	_ = 	snop;
	(pc) =	sbr.ind lr, $3  }
0x3a: {  	_ = 	snop  }
0x3b: {  	_ = 	snop  }
0x3c: {  	p2 =	seq.s32 s10, $0x1;
	s10 =	sld [smem:$0x3FB4]  }
0x3d: {  	_ =	shalt  }
0x3e: {  	_ =	shalt  }
0x3f: {  	_ =	shalt  }
0x40: {  	_ =	shalt  }
0x41: {  	_ =	shalt  }
0x42: {  	_ =	shalt  }
0x43: {  	_ =	shalt  }
0x44: {  	_ =	shalt  }
0x45: {  	_ =	shalt  }
0x46: {  	_ =	shalt  }
0x47: {  	_ =	shalt  }
0x48: {  	_ =	shalt  }
0x49: {  	_ =	shalt  }
0x4a: {  	_ =	shalt  }
0x4b: {  	_ =	shalt  }
0x4c: {  	_ =	shalt  }
0x4d: {  	_ =	shalt  }
0x4e: {  	_ =	shalt  }
0x4f: {  	_ =	shalt  }
0x50: {  	_ =	shalt  }
0x51: {  	_ =	shalt  }
0x52: {  	_ =	shalt  }
0x53: {  	_ =	shalt  }
0x54: {  	_ =	shalt  }
0x55: {  	_ =	shalt  }
0x56: {  	_ =	shalt  }
0x57: {  	_ =	shalt  }
0x58: {  	_ =	shalt  }
0x59: {  	_ =	shalt  }
0x5a: {  	_ =	shalt  }
0x5b: {  	_ =	shalt  }
0x5c: {  	_ =	shalt  }
0x5d: {  	_ =	shalt  }
0x5e: {  	_ =	shalt  }
0x5f: {  	_ =	shalt  }
0x60: {  	_ =	shalt  }
0x61: {  	_ =	shalt  }
0x62: {  	_ =	shalt  }
0x63: {  	_ =	shalt  }
0x64: {  	_ =	shalt  }
0x65: {  	_ =	shalt  }
0x66: {  	_ =	shalt  }
0x67: {  	_ =	shalt  }
0x68: {  	_ =	shalt  }
0x69: {  	_ =	shalt  }
0x6a: {  	_ =	shalt  }
0x6b: {  	_ =	shalt  }
0x6c: {  	_ =	shalt  }
0x6d: {  	_ =	shalt  }
0x6e: {  	_ =	shalt  }
0x6f: {  	_ =	shalt  }
0x70: {  	_ =	shalt  }
0x71: {  	_ =	shalt  }
0x72: {  	_ =	shalt  }
0x73: {  	_ =	shalt  }
0x74: {  	_ =	shalt  }
0x75: {  	_ =	shalt  }
0x76: {  	_ =	shalt  }
0x77: {  	_ =	shalt  }
0x78: {  	_ =	shalt  }
0x79: {  	_ =	shalt  }
0x7a: {  	_ =	shalt  }
0x7b: {  	_ =	shalt  }
0x7c: {  	_ =	shalt  }
0x7d: {  	_ =	shalt  }
0x7e: {  	_ =	shalt  }
0x7f: {  	_ =	shalt  }
0x80: {  	_ =	shalt  }
0x81: {  	_ =	shalt  }
0x82: {  	_ =	shalt  }
0x83: {  	_ =	shalt  }
0x84: {  	_ =	shalt  }
0x85: {  	_ =	shalt  }
0x86: {  	_ =	shalt  }
0x87: {  	_ =	shalt  }
.Lfunc_end0:
.L_simem_size_0:
called_computation_lowered:
.L_overlay_start_0:
0x88: {  	s2 =	sld [smem:$0x3FD9]  }
0x89: {  	s3 =	sld [smem:$0x3FFE];
	_ =	sdelay $0x1  }
0x8a: {  	s1 =	srdreg.scid  }
0x8b: {  	s0 =	sand.u32 $0x1, s1  }
0x8c: {  	s17 =	sshll.u32 s0, $0xA;
	s2 =	sadd.s32 s3, s2  }
0x8d: {  	s2 =	sadd.s32 s2, s17  }
0x8e: {  	[smem:$0x3FC0] =	sst s2  }
0x8f: {  	_ = 	snop  }
0x90: {  	s2 =	sld [smem:$0x3FD0];
	(tm) =	ssettm $0x1  }
0x91: {  	s18 =	sld [smem:$0x3FFB];
	_ =	sdelay $0x3  }
0x92: {  	_ =	strace s18  }
0x93: {  	s3 =	sld [smem:$0x3FFC];
	_ =	sdelay $0x3  }
0x94: {  	_ =	strace s3  }
0x95: {  	s3 =	sld [smem:$0x3FFD];
	_ =	sdelay $0x3  }
0x96: {  	_ =	strace s3  }
0x97: {  	_ =	strace $0x8FFFFFFF  }
0x98: {  	s19 =	sld [smem:$0x3FDB];
	_ =	sdelay $0x1  }
0x99: {  	s4 =	simm.s32 $_scs_section_size  }
0x9a: {  	s5 =	simm.s32 $_size__tile_overlayer_lowered;
	s6 =	simm.s32 $_tile_overlayer_lowered  }
0x9b: {  	s22 =	simm.s32 $0x1BFF;
	s21 =	sshll.u32 s6, $0x1;
	s3 =	sadd.s32 s4, s19  }
0x9c: {  	s7 =	simm.s32 $0x0;
	s20 =	sshll.u32 s5, $0x1;
	s5 =	sadd.s32 s21, s3  }
0x9d: {  	[timem:s7], [sflag:s22] =	dma.local [hbm:s5], s20  }
0x9e: {  	_ =	swait.ge [sflag:s22], s20  }
0x9f: {  	s4 =	ssub.s32 $0x0, s20;
	[sflag:s22] =	ssyncset.done $0x0  }
0xa0: {  	[sflag:s22] =	ssyncadd.s32 s4;
	_ =	sdelay $0x1  }
0xa1: {  	s23 =	simm.s32 $0x1B8B  }
0xa2: {  	_ =	swait.ge [sflag:s23], $0x1  }
0xa3: {  	[sflag:s23] =	ssyncset.done $0x0  }
0xa4: {  	s25 =	simm.s32 $0x1B8E;
	s24 =	sld [smem:$0x3FFE];
	[sflag:s23] =	ssyncadd.s32 $0xFFFFFFFF  }
0xa5: {  	s26 =	simm.s32 $execute0_lowered;
	[smem:$0x3FD2] =	sst s25  }
0xa6: {  	s5 =	sshll.u32 s26, $0x1;
	_ =	strace $0x80000046;
	[dreg:$0x1] =	wrdreg $0xFFFFFFFF  }
0xa7: {  	s28 =	simm.s32 $_size_execute0_lowered;
	s3 =	sadd.s32 s3, s5;
	[dreg:$0x0] =	wrdreg $0x0  }
0xa8: {  	s5 =	sshll.u32 s28, $0x1;
	[dreg:$0x2] =	wrdreg s3  }
0xa9: {  	[dreg:$0x3] =	wrdreg s5  }
0xaa: {  	[dreg:$0x4] =	wrdreg $0xC0  }
0xab: {  	_ =	task [dreg:s7], $0x5FFFF  }
0xac: {  	[dreg:$0x1] =	wrdreg $0xFFFFFFFF  }
0xad: {  	[dreg:$0x0] =	wrdreg $0x60  }
0xae: {  	[dreg:$0x2] =	wrdreg s2  }
0xaf: {  	[dreg:$0x3] =	wrdreg s24  }
0xb0: {  	[dreg:$0x4] =	wrdreg $0x9  }
0xb1: {  	_ =	task.clear_ibuf [dreg:s7], $0x5FFFF;
	_ =	strace $0x90000046  }
0xb2: {  	s29 =	simm.s32 $0x9;
	_ =	strace $0x80000048  }
0xb3: {  	_ =	swait.ge [sflag:s29], $0x1  }
0xb4: {  	[sflag:s29] =	ssyncadd.s32 $0xFFFFFFFF  }
0xb5: {  	_ =	strace $0x90000048  }
0xb6: {  	_ =	sfence  }
0xb7: {  	s30 =	sld [smem:$0x0];
	_ =	sdelay $0x2  }
0xb8: {  	s31 =	sshll.u32 s1, $0xD;
	s1 =	sshrl.u32 s1, $0x2  }
0xb9: {  	s3 =	sand.u32 $0x4000, s31;
	s1 =	sadd.s32 s1, s30  }
0xba: {  	s0 =	sor.u32 s3, s0;
	s1 =	sshll.u32 s1, $0x11  }
0xbb: {  	s0 =	sor.u32 s1, s0  }
0xbc: {  	s0 =	sadd.s32 $0x8F2B, s0  }
0xbd: {  	[sflag:s0] =	ssyncadd.remote.s32 $0x1  }
0xbe: {  	_ =	sfence.sel $0xFFFF  }
0xbf: {  	[dreg:$0x0] =	wrdreg $0xFFFFFFFF;
	(pc) =	sbr.abs _section_cstart, $3  }
0xc0: {  	[dreg:$0x1] =	wrdreg $0xFFFFFFFF  }
0xc1: {  	_ =	task.clear_ibuf [dreg:s7], $0x2FFFF;
	_ =	strace $0x9FFFFFFF  }
0xc2: {  	(tm) =	ssettm $0x7FFFFFFF  }
0xc3: {  	_ =	shalt  }
tec
execute0_lowered:
.L_overlay_start_1:
0x0: {  	(tag) =	ssettag $0x1  }
0x1: {  	s3 =	rddreg [dreg:$0x0]  }
0x2: {  	s4 =	rddreg [dreg:$0x1];
	s1 =	stileid.u32  }
0x3: {  	s0 =	rddreg [dreg:$0x2];
	s5 =	srdreg.scid;
	s2 =	simm.s32 $0x0  }
0x4: {  	s11 =	simm.s32 $0x400;
	s12 =	simm.s32 $0x20000;
	s13 =	simm.s32 $0x18000  }
0x5: {  	s14 =	simm.s32 $0x0;
	s6 =	sshll.u32 s1, $0x1;
	s5 =	sand.u32 $0x1, s5  }
0x6: {  	[smem:$0x7FF] =	sst s2;
	s7 =	sshrl.u32 s1, $0x1;
	s6 =	sand.u32 $0x2, s6  }
0x7: {  	_ =	strace $0x80000047;
	s8 =	sshll.u32 s7, $0xD;
	s7 =	sshll.u32 s7, $0x11  }
0x8: {  	s6 =	sor.u32 s5, s6;
	s5 =	ssub.s32 $0x2, s5;
	s3 =	sadd.s32 s3, s8  }
0x9: {  	s9 =	sshll.u32 s6, $0xB;
	s6 =	sshll.u32 s6, $0xC;
	s31 =	sshrl.u32 s5, $0x1  }
0xa: {  	s9 =	sor.u32 s8, s9;
	s6 =	sadd.s32 s6, s4;
	s10 =	ssub.s32 s5, s31  }
0xb: {  	s8 =	simm.s32 $0x1;
	s9 =	sadd.s32 s9, s4;
	s6 =	sadd.s32 s7, s6  }
0xc: {  	s7 =	smax.u32 s10, $0x1;
	s10 =	simm.s32 $0x14000;
	s4 =	sadd.s32 $0x200C00, s9  }
0xd: {  	s5 =	sadd.s32 $0x210C00, s9;
	s6 =	sadd.s32 $0xC00, s6;
	s9 =	simm.s32 $0x10000  }
.LBB2_1:
0xe: {  	[tilespmem:s2], [sflag:$0x1] =	stream.linear.gather [hbm4b:s3+s2], $0x10000, $0x38;
	[tilespmem:$0x1A000] =	vst v63  }
0xf: {  	_ =	swait.ge [sflag:s8], $0x10000  }
0x10: {  	[sflag:s8] =	ssyncset.done $0x0  }
0x11: {  	[sflag:s8] =	ssyncadd.s32 $0xFFFF0000  }
0x12: {  	[tilespmem:s9], [sflag:$0x1] =	stream.linear.gather [hbm4b:s4+s2], $0x4000, $0x38;
	[tilespmem:$0x1A000] =	vst v63  }
0x13: {  	_ =	swait.ge [sflag:s8], $0x4000  }
0x14: {  	[sflag:s8] =	ssyncset.done $0x0  }
0x15: {  	[sflag:s8] =	ssyncadd.s32 $0xFFFFC000  }
0x16: {  	[tilespmem:s10], [sflag:$0x1] =	stream.linear.gather [hbm4b:s5+s2], $0x4000, $0x38;
	[tilespmem:$0x1A000] =	vst v63  }
0x17: {  	_ =	swait.ge [sflag:s8], $0x4000  }
0x18: {  	s15 =	simm.s32 $0x10080;
	[sflag:s8] =	ssyncset.done $0x0  }
0x19: {  	s16 =	simm.s32 $0x14080;
	s17 =	simm.s32 $0x0;
	[sflag:s8] =	ssyncadd.s32 $0xFFFFC000  }
.LBB2_2:
0x1a: {  	v0 =	vmov s15;
	_ =	sdelay $0x2  }
0x1b: {  	s18 =	simm.s32 $0x0;
	v1 =	vmov s16  }
.LBB2_3:
0x1c: {  	s19 =	sshra.s32 s18, $0x2  }
0x1d: {  	v2 =	vld.idx.msk [tilespmem:v0+s19+$0xFFFFFF80 ss:$0x1], $0xffff  }
0x1e: {  	v3 =	vld.idx.msk [tilespmem:v0+s19+$0x0 ss:$0x1], $0xffff;
	_ =	sdelay $0x1  }
0x1f: {  	v4 =	vld.idx.msk [tilespmem:v0+s19+$0x80 ss:$0x1], $0xffff;
	_ =	sdelay $0x1  }
0x20: {  	v5 =	vshll.u32 v2, $0x7  }
0x21: {  	v6 =	vshll.u32 v3, $0x7;
	_ =	sdelay $0x1  }
0x22: {  	v2 =	vld.idx.msk [tilespmem:v1+s19+$0xFFFFFF80 ss:$0x1], $0xffff;
	v7 =	vshll.u32 v4, $0x7  }
0x23: {  	v3 =	vld.idx.msk [tilespmem:v1+s19+$0x0 ss:$0x1], $0xffff  }
0x24: {  	v8 =	vld.idx.msk [tilespmem:v5+s2+$0x0], $0xffff  }
0x25: {  	v9 =	vld.idx.msk [tilespmem:v6+s2+$0x0], $0xffff  }
0x26: {  	v4 =	vld.idx.msk [tilespmem:v1+s19+$0x80 ss:$0x1], $0xffff  }
0x27: {  	v10 =	vld.idx.msk [tilespmem:v7+s2+$0x0], $0xffff;
	_ =	sdelay $0x2  }
0x28: {  	v8 =	vmul.f32 v8, v2;
	v9 =	vmul.f32 v9, v3;
	_ =	sdelay $0x1  }
0x29: {  	v25 =	vor.u32 $0x1, v5;
	v24 =	vmul.f32 v10, v4;
	v8 =	vadd.f32 v9, v8  }
0x2a: {  	v11 =	vor.u32 $0x1, v6  }
0x2b: {  	v8 =	vadd.f32 v24, v8  }
0x2c: {  	v26 =	vor.u32 $0x1, v7  }
0x2d: {  	[tilespmem:s19+$0x18000] =	vst v8  }
0x2e: {  	v8 =	vld.idx.msk [tilespmem:v25+s2+$0x0], $0xffff  }
0x2f: {  	v27 =	vld.idx.msk [tilespmem:v11+s2+$0x0], $0xffff;
	_ =	sdelay $0x1  }
0x30: {  	v9 =	vld.idx.msk [tilespmem:v26+s2+$0x0], $0xffff;
	_ =	sdelay $0x2  }
0x31: {  	v8 =	vmul.f32 v8, v2;
	v10 =	vmul.f32 v27, v3;
	_ =	sdelay $0x1  }
0x32: {  	v28 =	vor.u32 $0x2, v5;
	v9 =	vmul.f32 v9, v4;
	v8 =	vadd.f32 v10, v8  }
0x33: {  	v29 =	vor.u32 $0x2, v6  }
0x34: {  	v8 =	vadd.f32 v9, v8  }
0x35: {  	v30 =	vor.u32 $0x2, v7  }
0x36: {  	[tilespmem:s19+$0x18080] =	vst v8  }
0x37: {  	v8 =	vld.idx.msk [tilespmem:v28+s2+$0x0], $0xffff  }
0x38: {  	v31 =	vld.idx.msk [tilespmem:v29+s2+$0x0], $0xffff;
	_ =	sdelay $0x1  }
0x39: {  	v9 =	vld.idx.msk [tilespmem:v30+s2+$0x0], $0xffff;
	_ =	sdelay $0x2  }
0x3a: {  	v8 =	vmul.f32 v8, v2;
	v10 =	vmul.f32 v31, v3;
	_ =	sdelay $0x1  }
0x3b: {  	v32 =	vor.u32 $0x3, v5;
	v9 =	vmul.f32 v9, v4;
	v8 =	vadd.f32 v10, v8  }
0x3c: {  	v33 =	vor.u32 $0x3, v6  }
0x3d: {  	v8 =	vadd.f32 v9, v8  }
0x3e: {  	v34 =	vor.u32 $0x3, v7  }
0x3f: {  	[tilespmem:s19+$0x18100] =	vst v8  }
0x40: {  	v8 =	vld.idx.msk [tilespmem:v32+s2+$0x0], $0xffff  }
0x41: {  	v35 =	vld.idx.msk [tilespmem:v33+s2+$0x0], $0xffff;
	_ =	sdelay $0x1  }
0x42: {  	v9 =	vld.idx.msk [tilespmem:v34+s2+$0x0], $0xffff;
	_ =	sdelay $0x2  }
0x43: {  	v8 =	vmul.f32 v8, v2;
	v10 =	vmul.f32 v35, v3;
	_ =	sdelay $0x1  }
0x44: {  	v36 =	vor.u32 $0x4, v5;
	v9 =	vmul.f32 v9, v4;
	v8 =	vadd.f32 v10, v8  }
0x45: {  	v37 =	vor.u32 $0x4, v6  }
0x46: {  	v8 =	vadd.f32 v9, v8  }
0x47: {  	v38 =	vor.u32 $0x4, v7  }
0x48: {  	[tilespmem:s19+$0x18180] =	vst v8  }
0x49: {  	v8 =	vld.idx.msk [tilespmem:v36+s2+$0x0], $0xffff  }
0x4a: {  	v39 =	vld.idx.msk [tilespmem:v37+s2+$0x0], $0xffff;
	_ =	sdelay $0x1  }
0x4b: {  	v9 =	vld.idx.msk [tilespmem:v38+s2+$0x0], $0xffff;
	_ =	sdelay $0x2  }
0x4c: {  	v8 =	vmul.f32 v8, v2;
	v10 =	vmul.f32 v39, v3;
	_ =	sdelay $0x1  }
0x4d: {  	v40 =	vor.u32 $0x5, v5;
	v9 =	vmul.f32 v9, v4;
	v8 =	vadd.f32 v10, v8  }
0x4e: {  	v41 =	vor.u32 $0x5, v6  }
0x4f: {  	v8 =	vadd.f32 v9, v8  }
0x50: {  	v42 =	vor.u32 $0x5, v7  }
0x51: {  	[tilespmem:s19+$0x18200] =	vst v8  }
0x52: {  	v8 =	vld.idx.msk [tilespmem:v40+s2+$0x0], $0xffff  }
0x53: {  	v43 =	vld.idx.msk [tilespmem:v41+s2+$0x0], $0xffff;
	_ =	sdelay $0x1  }
0x54: {  	v9 =	vld.idx.msk [tilespmem:v42+s2+$0x0], $0xffff;
	_ =	sdelay $0x2  }
0x55: {  	v8 =	vmul.f32 v8, v2;
	v10 =	vmul.f32 v43, v3;
	_ =	sdelay $0x1  }
0x56: {  	v44 =	vor.u32 $0x6, v5;
	v9 =	vmul.f32 v9, v4;
	v8 =	vadd.f32 v10, v8  }
0x57: {  	v45 =	vor.u32 $0x6, v6  }
0x58: {  	v8 =	vadd.f32 v9, v8  }
0x59: {  	v46 =	vor.u32 $0x6, v7  }
0x5a: {  	[tilespmem:s19+$0x18280] =	vst v8  }
0x5b: {  	v8 =	vld.idx.msk [tilespmem:v44+s2+$0x0], $0xffff  }
0x5c: {  	v47 =	vld.idx.msk [tilespmem:v45+s2+$0x0], $0xffff;
	_ =	sdelay $0x1  }
0x5d: {  	v9 =	vld.idx.msk [tilespmem:v46+s2+$0x0], $0xffff;
	_ =	sdelay $0x2  }
0x5e: {  	v8 =	vmul.f32 v8, v2;
	v10 =	vmul.f32 v47, v3;
	_ =	sdelay $0x1  }
0x5f: {  	v48 =	vor.u32 $0x7, v5;
	v9 =	vmul.f32 v9, v4;
	v8 =	vadd.f32 v10, v8  }
0x60: {  	v49 =	vor.u32 $0x7, v6  }
0x61: {  	v8 =	vadd.f32 v9, v8  }
0x62: {  	v50 =	vor.u32 $0x7, v7  }
0x63: {  	[tilespmem:s19+$0x18300] =	vst v8  }
0x64: {  	v8 =	vld.idx.msk [tilespmem:v48+s2+$0x0], $0xffff  }
0x65: {  	v51 =	vld.idx.msk [tilespmem:v49+s2+$0x0], $0xffff;
	_ =	sdelay $0x1  }
0x66: {  	v9 =	vld.idx.msk [tilespmem:v50+s2+$0x0], $0xffff;
	_ =	sdelay $0x2  }
0x67: {  	v8 =	vmul.f32 v8, v2;
	v10 =	vmul.f32 v51, v3;
	_ =	sdelay $0x1  }
0x68: {  	v52 =	vor.u32 $0x8, v5;
	v9 =	vmul.f32 v9, v4;
	v8 =	vadd.f32 v10, v8  }
0x69: {  	v53 =	vor.u32 $0x8, v6  }
0x6a: {  	v8 =	vadd.f32 v9, v8  }
0x6b: {  	v54 =	vor.u32 $0x8, v7  }
0x6c: {  	[tilespmem:s19+$0x18380] =	vst v8  }
0x6d: {  	v8 =	vld.idx.msk [tilespmem:v52+s2+$0x0], $0xffff  }
0x6e: {  	v55 =	vld.idx.msk [tilespmem:v53+s2+$0x0], $0xffff;
	_ =	sdelay $0x1  }
0x6f: {  	v9 =	vld.idx.msk [tilespmem:v54+s2+$0x0], $0xffff;
	_ =	sdelay $0x2  }
0x70: {  	v8 =	vmul.f32 v8, v2;
	v10 =	vmul.f32 v55, v3;
	_ =	sdelay $0x1  }
0x71: {  	v56 =	vor.u32 $0x9, v5;
	v9 =	vmul.f32 v9, v4;
	v8 =	vadd.f32 v10, v8  }
0x72: {  	v57 =	vor.u32 $0x9, v6  }
0x73: {  	v8 =	vadd.f32 v9, v8  }
0x74: {  	v58 =	vor.u32 $0x9, v7  }
0x75: {  	[tilespmem:s19+$0x18400] =	vst v8  }
0x76: {  	v8 =	vld.idx.msk [tilespmem:v56+s2+$0x0], $0xffff  }
0x77: {  	v59 =	vld.idx.msk [tilespmem:v57+s2+$0x0], $0xffff;
	_ =	sdelay $0x1  }
0x78: {  	v9 =	vld.idx.msk [tilespmem:v58+s2+$0x0], $0xffff;
	_ =	sdelay $0x2  }
0x79: {  	v8 =	vmul.f32 v8, v2;
	v10 =	vmul.f32 v59, v3;
	_ =	sdelay $0x1  }
0x7a: {  	v60 =	vor.u32 $0xA, v5;
	v9 =	vmul.f32 v9, v4;
	v8 =	vadd.f32 v10, v8  }
0x7b: {  	v61 =	vor.u32 $0xA, v6  }
0x7c: {  	v8 =	vadd.f32 v9, v8  }
0x7d: {  	v62 =	vor.u32 $0xA, v7  }
0x7e: {  	[tilespmem:s19+$0x18480] =	vst v8  }
0x7f: {  	v8 =	vld.idx.msk [tilespmem:v60+s2+$0x0], $0xffff  }
0x80: {  	v63 =	vld.idx.msk [tilespmem:v61+s2+$0x0], $0xffff;
	_ =	sdelay $0x1  }
0x81: {  	v9 =	vld.idx.msk [tilespmem:v62+s2+$0x0], $0xffff;
	_ =	sdelay $0x2  }
0x82: {  	v8 =	vmul.f32 v8, v2;
	v10 =	vmul.f32 v63, v3;
	_ =	sdelay $0x1  }
0x83: {  	v12 =	vor.u32 $0xB, v5;
	v9 =	vmul.f32 v9, v4;
	v8 =	vadd.f32 v10, v8  }
0x84: {  	v13 =	vor.u32 $0xB, v6  }
0x85: {  	v8 =	vadd.f32 v9, v8  }
0x86: {  	v14 =	vor.u32 $0xB, v7  }
0x87: {  	[tilespmem:s19+$0x18500] =	vst v8  }
0x88: {  	v8 =	vld.idx.msk [tilespmem:v12+s2+$0x0], $0xffff  }
0x89: {  	v15 =	vld.idx.msk [tilespmem:v13+s2+$0x0], $0xffff;
	_ =	sdelay $0x1  }
0x8a: {  	v9 =	vld.idx.msk [tilespmem:v14+s2+$0x0], $0xffff;
	_ =	sdelay $0x2  }
0x8b: {  	v8 =	vmul.f32 v8, v2;
	v10 =	vmul.f32 v15, v3;
	_ =	sdelay $0x1  }
0x8c: {  	v16 =	vor.u32 $0xC, v5;
	v9 =	vmul.f32 v9, v4;
	v8 =	vadd.f32 v10, v8  }
0x8d: {  	v17 =	vor.u32 $0xC, v6  }
0x8e: {  	v8 =	vadd.f32 v9, v8  }
0x8f: {  	v18 =	vor.u32 $0xC, v7  }
0x90: {  	[tilespmem:s19+$0x18580] =	vst v8  }
0x91: {  	v8 =	vld.idx.msk [tilespmem:v16+s2+$0x0], $0xffff  }
0x92: {  	v19 =	vld.idx.msk [tilespmem:v17+s2+$0x0], $0xffff;
	_ =	sdelay $0x1  }
0x93: {  	v9 =	vld.idx.msk [tilespmem:v18+s2+$0x0], $0xffff;
	_ =	sdelay $0x2  }
0x94: {  	v8 =	vmul.f32 v8, v2;
	v10 =	vmul.f32 v19, v3;
	_ =	sdelay $0x1  }
0x95: {  	v20 =	vor.u32 $0xD, v5;
	v9 =	vmul.f32 v9, v4;
	v8 =	vadd.f32 v10, v8  }
0x96: {  	v21 =	vor.u32 $0xD, v6  }
0x97: {  	v8 =	vadd.f32 v9, v8  }
0x98: {  	v22 =	vor.u32 $0xD, v7  }
0x99: {  	[tilespmem:s19+$0x18600] =	vst v8  }
0x9a: {  	v8 =	vld.idx.msk [tilespmem:v20+s2+$0x0], $0xffff  }
0x9b: {  	v23 =	vld.idx.msk [tilespmem:v21+s2+$0x0], $0xffff;
	_ =	sdelay $0x1  }
0x9c: {  	v9 =	vld.idx.msk [tilespmem:v22+s2+$0x0], $0xffff;
	_ =	sdelay $0x2  }
0x9d: {  	v8 =	vmul.f32 v8, v2;
	v10 =	vmul.f32 v23, v3;
	_ =	sdelay $0x1  }
0x9e: {  	v24 =	vor.u32 $0xE, v5;
	v9 =	vmul.f32 v9, v4;
	v8 =	vadd.f32 v10, v8  }
0x9f: {  	v25 =	vor.u32 $0xE, v6  }
0xa0: {  	v8 =	vadd.f32 v9, v8  }
0xa1: {  	v26 =	vor.u32 $0xE, v7  }
0xa2: {  	[tilespmem:s19+$0x18680] =	vst v8  }
0xa3: {  	v8 =	vld.idx.msk [tilespmem:v24+s2+$0x0], $0xffff  }
0xa4: {  	v27 =	vld.idx.msk [tilespmem:v25+s2+$0x0], $0xffff;
	_ =	sdelay $0x1  }
0xa5: {  	v9 =	vld.idx.msk [tilespmem:v26+s2+$0x0], $0xffff;
	_ =	sdelay $0x2  }
0xa6: {  	v8 =	vmul.f32 v8, v2;
	v10 =	vmul.f32 v27, v3;
	_ =	sdelay $0x1  }
0xa7: {  	v28 =	vor.u32 $0xF, v5;
	v9 =	vmul.f32 v9, v4;
	v8 =	vadd.f32 v10, v8  }
0xa8: {  	v29 =	vor.u32 $0xF, v6  }
0xa9: {  	v8 =	vadd.f32 v9, v8  }
0xaa: {  	v30 =	vor.u32 $0xF, v7  }
0xab: {  	[tilespmem:s19+$0x18700] =	vst v8  }
0xac: {  	v8 =	vld.idx.msk [tilespmem:v28+s2+$0x0], $0xffff  }
0xad: {  	v31 =	vld.idx.msk [tilespmem:v29+s2+$0x0], $0xffff;
	_ =	sdelay $0x1  }
0xae: {  	v9 =	vld.idx.msk [tilespmem:v30+s2+$0x0], $0xffff;
	_ =	sdelay $0x2  }
0xaf: {  	v8 =	vmul.f32 v8, v2;
	v10 =	vmul.f32 v31, v3;
	_ =	sdelay $0x1  }
0xb0: {  	v32 =	vor.u32 $0x10, v5;
	v9 =	vmul.f32 v9, v4;
	v8 =	vadd.f32 v10, v8  }
0xb1: {  	v33 =	vor.u32 $0x10, v6  }
0xb2: {  	v8 =	vadd.f32 v9, v8  }
0xb3: {  	v34 =	vor.u32 $0x10, v7  }
0xb4: {  	[tilespmem:s19+$0x18780] =	vst v8  }
0xb5: {  	v8 =	vld.idx.msk [tilespmem:v32+s2+$0x0], $0xffff  }
0xb6: {  	v35 =	vld.idx.msk [tilespmem:v33+s2+$0x0], $0xffff;
	_ =	sdelay $0x1  }
0xb7: {  	v9 =	vld.idx.msk [tilespmem:v34+s2+$0x0], $0xffff;
	_ =	sdelay $0x2  }
0xb8: {  	v8 =	vmul.f32 v8, v2;
	v10 =	vmul.f32 v35, v3;
	_ =	sdelay $0x1  }
0xb9: {  	v36 =	vor.u32 $0x11, v5;
	v9 =	vmul.f32 v9, v4;
	v8 =	vadd.f32 v10, v8  }
0xba: {  	v37 =	vor.u32 $0x11, v6  }
0xbb: {  	v8 =	vadd.f32 v9, v8  }
0xbc: {  	v38 =	vor.u32 $0x11, v7  }
0xbd: {  	[tilespmem:s19+$0x18800] =	vst v8  }
0xbe: {  	v8 =	vld.idx.msk [tilespmem:v36+s2+$0x0], $0xffff  }
0xbf: {  	v39 =	vld.idx.msk [tilespmem:v37+s2+$0x0], $0xffff;
	_ =	sdelay $0x1  }
0xc0: {  	v9 =	vld.idx.msk [tilespmem:v38+s2+$0x0], $0xffff;
	_ =	sdelay $0x2  }
0xc1: {  	v8 =	vmul.f32 v8, v2;
	v10 =	vmul.f32 v39, v3;
	_ =	sdelay $0x1  }
0xc2: {  	v40 =	vor.u32 $0x12, v5;
	v9 =	vmul.f32 v9, v4;
	v8 =	vadd.f32 v10, v8  }
0xc3: {  	v41 =	vor.u32 $0x12, v6  }
0xc4: {  	v8 =	vadd.f32 v9, v8  }
0xc5: {  	v42 =	vor.u32 $0x12, v7  }
0xc6: {  	[tilespmem:s19+$0x18880] =	vst v8  }
0xc7: {  	v8 =	vld.idx.msk [tilespmem:v40+s2+$0x0], $0xffff  }
0xc8: {  	v43 =	vld.idx.msk [tilespmem:v41+s2+$0x0], $0xffff;
	_ =	sdelay $0x1  }
0xc9: {  	v9 =	vld.idx.msk [tilespmem:v42+s2+$0x0], $0xffff;
	_ =	sdelay $0x2  }
0xca: {  	v8 =	vmul.f32 v8, v2;
	v10 =	vmul.f32 v43, v3;
	_ =	sdelay $0x1  }
0xcb: {  	v44 =	vor.u32 $0x13, v5;
	v9 =	vmul.f32 v9, v4;
	v8 =	vadd.f32 v10, v8  }
0xcc: {  	v45 =	vor.u32 $0x13, v6  }
0xcd: {  	v8 =	vadd.f32 v9, v8  }
0xce: {  	v46 =	vor.u32 $0x13, v7  }
0xcf: {  	[tilespmem:s19+$0x18900] =	vst v8  }
0xd0: {  	v8 =	vld.idx.msk [tilespmem:v44+s2+$0x0], $0xffff  }
0xd1: {  	v47 =	vld.idx.msk [tilespmem:v45+s2+$0x0], $0xffff;
	_ =	sdelay $0x1  }
0xd2: {  	v9 =	vld.idx.msk [tilespmem:v46+s2+$0x0], $0xffff;
	_ =	sdelay $0x2  }
0xd3: {  	v8 =	vmul.f32 v8, v2;
	v10 =	vmul.f32 v47, v3;
	_ =	sdelay $0x1  }
0xd4: {  	v48 =	vor.u32 $0x14, v5;
	v9 =	vmul.f32 v9, v4;
	v8 =	vadd.f32 v10, v8  }
0xd5: {  	v49 =	vor.u32 $0x14, v6  }
0xd6: {  	v8 =	vadd.f32 v9, v8  }
0xd7: {  	v50 =	vor.u32 $0x14, v7  }
0xd8: {  	[tilespmem:s19+$0x18980] =	vst v8  }
0xd9: {  	v8 =	vld.idx.msk [tilespmem:v48+s2+$0x0], $0xffff  }
0xda: {  	v51 =	vld.idx.msk [tilespmem:v49+s2+$0x0], $0xffff;
	_ =	sdelay $0x1  }
0xdb: {  	v9 =	vld.idx.msk [tilespmem:v50+s2+$0x0], $0xffff;
	_ =	sdelay $0x2  }
0xdc: {  	v8 =	vmul.f32 v8, v2;
	v10 =	vmul.f32 v51, v3;
	_ =	sdelay $0x1  }
0xdd: {  	v52 =	vor.u32 $0x15, v5;
	v9 =	vmul.f32 v9, v4;
	v8 =	vadd.f32 v10, v8  }
0xde: {  	v53 =	vor.u32 $0x15, v6  }
0xdf: {  	v8 =	vadd.f32 v9, v8  }
0xe0: {  	v54 =	vor.u32 $0x15, v7  }
0xe1: {  	[tilespmem:s19+$0x18A00] =	vst v8  }
0xe2: {  	v8 =	vld.idx.msk [tilespmem:v52+s2+$0x0], $0xffff  }
0xe3: {  	v55 =	vld.idx.msk [tilespmem:v53+s2+$0x0], $0xffff;
	_ =	sdelay $0x1  }
0xe4: {  	v9 =	vld.idx.msk [tilespmem:v54+s2+$0x0], $0xffff;
	_ =	sdelay $0x2  }
0xe5: {  	v8 =	vmul.f32 v8, v2;
	v10 =	vmul.f32 v55, v3;
	_ =	sdelay $0x1  }
0xe6: {  	v56 =	vor.u32 $0x16, v5;
	v9 =	vmul.f32 v9, v4;
	v8 =	vadd.f32 v10, v8  }
0xe7: {  	v57 =	vor.u32 $0x16, v6  }
0xe8: {  	v8 =	vadd.f32 v9, v8  }
0xe9: {  	v58 =	vor.u32 $0x16, v7  }
0xea: {  	[tilespmem:s19+$0x18A80] =	vst v8  }
0xeb: {  	v8 =	vld.idx.msk [tilespmem:v56+s2+$0x0], $0xffff  }
0xec: {  	v59 =	vld.idx.msk [tilespmem:v57+s2+$0x0], $0xffff;
	_ =	sdelay $0x1  }
0xed: {  	v9 =	vld.idx.msk [tilespmem:v58+s2+$0x0], $0xffff;
	_ =	sdelay $0x2  }
0xee: {  	v8 =	vmul.f32 v8, v2;
	v10 =	vmul.f32 v59, v3;
	_ =	sdelay $0x1  }
0xef: {  	v60 =	vor.u32 $0x17, v5;
	v9 =	vmul.f32 v9, v4;
	v8 =	vadd.f32 v10, v8  }
0xf0: {  	v61 =	vor.u32 $0x17, v6  }
0xf1: {  	v8 =	vadd.f32 v9, v8  }
0xf2: {  	v62 =	vor.u32 $0x17, v7  }
0xf3: {  	[tilespmem:s19+$0x18B00] =	vst v8  }
0xf4: {  	v8 =	vld.idx.msk [tilespmem:v60+s2+$0x0], $0xffff  }
0xf5: {  	v63 =	vld.idx.msk [tilespmem:v61+s2+$0x0], $0xffff;
	_ =	sdelay $0x1  }
0xf6: {  	v9 =	vld.idx.msk [tilespmem:v62+s2+$0x0], $0xffff;
	_ =	sdelay $0x2  }
0xf7: {  	v8 =	vmul.f32 v8, v2;
	v10 =	vmul.f32 v63, v3;
	_ =	sdelay $0x1  }
0xf8: {  	v12 =	vor.u32 $0x18, v5;
	v9 =	vmul.f32 v9, v4;
	v8 =	vadd.f32 v10, v8  }
0xf9: {  	v13 =	vor.u32 $0x18, v6  }
0xfa: {  	v8 =	vadd.f32 v9, v8  }
0xfb: {  	v14 =	vor.u32 $0x18, v7  }
0xfc: {  	[tilespmem:s19+$0x18B80] =	vst v8  }
0xfd: {  	v8 =	vld.idx.msk [tilespmem:v12+s2+$0x0], $0xffff  }
0xfe: {  	v15 =	vld.idx.msk [tilespmem:v13+s2+$0x0], $0xffff;
	_ =	sdelay $0x1  }
0xff: {  	v9 =	vld.idx.msk [tilespmem:v14+s2+$0x0], $0xffff;
	_ =	sdelay $0x2  }
0x100: {  	v8 =	vmul.f32 v8, v2;
	v10 =	vmul.f32 v15, v3;
	_ =	sdelay $0x1  }
0x101: {  	v16 =	vor.u32 $0x19, v5;
	v9 =	vmul.f32 v9, v4;
	v8 =	vadd.f32 v10, v8  }
0x102: {  	v17 =	vor.u32 $0x19, v6  }
0x103: {  	v8 =	vadd.f32 v9, v8  }
0x104: {  	v18 =	vor.u32 $0x19, v7  }
0x105: {  	[tilespmem:s19+$0x18C00] =	vst v8  }
0x106: {  	v8 =	vld.idx.msk [tilespmem:v16+s2+$0x0], $0xffff  }
0x107: {  	v19 =	vld.idx.msk [tilespmem:v17+s2+$0x0], $0xffff;
	_ =	sdelay $0x1  }
0x108: {  	v9 =	vld.idx.msk [tilespmem:v18+s2+$0x0], $0xffff;
	_ =	sdelay $0x2  }
0x109: {  	v8 =	vmul.f32 v8, v2;
	v10 =	vmul.f32 v19, v3;
	_ =	sdelay $0x1  }
0x10a: {  	v20 =	vor.u32 $0x1A, v5;
	v9 =	vmul.f32 v9, v4;
	v8 =	vadd.f32 v10, v8  }
0x10b: {  	v21 =	vor.u32 $0x1A, v6  }
0x10c: {  	v8 =	vadd.f32 v9, v8  }
0x10d: {  	v22 =	vor.u32 $0x1A, v7  }
0x10e: {  	[tilespmem:s19+$0x18C80] =	vst v8  }
0x10f: {  	v8 =	vld.idx.msk [tilespmem:v20+s2+$0x0], $0xffff  }
0x110: {  	v23 =	vld.idx.msk [tilespmem:v21+s2+$0x0], $0xffff;
	_ =	sdelay $0x1  }
0x111: {  	v9 =	vld.idx.msk [tilespmem:v22+s2+$0x0], $0xffff;
	_ =	sdelay $0x2  }
0x112: {  	v8 =	vmul.f32 v8, v2;
	v10 =	vmul.f32 v23, v3;
	_ =	sdelay $0x1  }
0x113: {  	v24 =	vor.u32 $0x1B, v5;
	v9 =	vmul.f32 v9, v4;
	v8 =	vadd.f32 v10, v8  }
0x114: {  	v25 =	vor.u32 $0x1B, v6  }
0x115: {  	v8 =	vadd.f32 v9, v8  }
0x116: {  	v26 =	vor.u32 $0x1B, v7  }
0x117: {  	[tilespmem:s19+$0x18D00] =	vst v8  }
0x118: {  	v8 =	vld.idx.msk [tilespmem:v24+s2+$0x0], $0xffff  }
0x119: {  	v27 =	vld.idx.msk [tilespmem:v25+s2+$0x0], $0xffff;
	_ =	sdelay $0x1  }
0x11a: {  	v9 =	vld.idx.msk [tilespmem:v26+s2+$0x0], $0xffff;
	_ =	sdelay $0x2  }
0x11b: {  	v8 =	vmul.f32 v8, v2;
	v10 =	vmul.f32 v27, v3;
	_ =	sdelay $0x1  }
0x11c: {  	v28 =	vor.u32 $0x1C, v5;
	v9 =	vmul.f32 v9, v4;
	v8 =	vadd.f32 v10, v8  }
0x11d: {  	v29 =	vor.u32 $0x1C, v6  }
0x11e: {  	v8 =	vadd.f32 v9, v8  }
0x11f: {  	v30 =	vor.u32 $0x1C, v7  }
0x120: {  	[tilespmem:s19+$0x18D80] =	vst v8  }
0x121: {  	v8 =	vld.idx.msk [tilespmem:v28+s2+$0x0], $0xffff  }
0x122: {  	v31 =	vld.idx.msk [tilespmem:v29+s2+$0x0], $0xffff;
	_ =	sdelay $0x1  }
0x123: {  	v9 =	vld.idx.msk [tilespmem:v30+s2+$0x0], $0xffff;
	_ =	sdelay $0x2  }
0x124: {  	v8 =	vmul.f32 v8, v2;
	v10 =	vmul.f32 v31, v3;
	_ =	sdelay $0x1  }
0x125: {  	v32 =	vor.u32 $0x1D, v5;
	v9 =	vmul.f32 v9, v4;
	v8 =	vadd.f32 v10, v8  }
0x126: {  	v33 =	vor.u32 $0x1D, v6  }
0x127: {  	v8 =	vadd.f32 v9, v8  }
0x128: {  	v34 =	vor.u32 $0x1D, v7  }
0x129: {  	[tilespmem:s19+$0x18E00] =	vst v8  }
0x12a: {  	v8 =	vld.idx.msk [tilespmem:v32+s2+$0x0], $0xffff  }
0x12b: {  	v35 =	vld.idx.msk [tilespmem:v33+s2+$0x0], $0xffff;
	_ =	sdelay $0x1  }
0x12c: {  	v9 =	vld.idx.msk [tilespmem:v34+s2+$0x0], $0xffff;
	_ =	sdelay $0x2  }
0x12d: {  	v8 =	vmul.f32 v8, v2;
	v10 =	vmul.f32 v35, v3;
	_ =	sdelay $0x1  }
0x12e: {  	v36 =	vor.u32 $0x1E, v5;
	v9 =	vmul.f32 v9, v4;
	v8 =	vadd.f32 v10, v8  }
0x12f: {  	v37 =	vor.u32 $0x1E, v6  }
0x130: {  	v8 =	vadd.f32 v9, v8  }
0x131: {  	v38 =	vor.u32 $0x1E, v7  }
0x132: {  	[tilespmem:s19+$0x18E80] =	vst v8  }
0x133: {  	v8 =	vld.idx.msk [tilespmem:v36+s2+$0x0], $0xffff  }
0x134: {  	v39 =	vld.idx.msk [tilespmem:v37+s2+$0x0], $0xffff;
	_ =	sdelay $0x1  }
0x135: {  	v9 =	vld.idx.msk [tilespmem:v38+s2+$0x0], $0xffff;
	_ =	sdelay $0x2  }
0x136: {  	v8 =	vmul.f32 v8, v2;
	v10 =	vmul.f32 v39, v3;
	_ =	sdelay $0x1  }
0x137: {  	v40 =	vor.u32 $0x1F, v5;
	v9 =	vmul.f32 v9, v4;
	v8 =	vadd.f32 v10, v8  }
0x138: {  	v41 =	vor.u32 $0x1F, v6  }
0x139: {  	v8 =	vadd.f32 v9, v8  }
0x13a: {  	v42 =	vor.u32 $0x1F, v7  }
0x13b: {  	[tilespmem:s19+$0x18F00] =	vst v8  }
0x13c: {  	v8 =	vld.idx.msk [tilespmem:v40+s2+$0x0], $0xffff  }
0x13d: {  	v43 =	vld.idx.msk [tilespmem:v41+s2+$0x0], $0xffff;
	_ =	sdelay $0x1  }
0x13e: {  	v9 =	vld.idx.msk [tilespmem:v42+s2+$0x0], $0xffff;
	_ =	sdelay $0x2  }
0x13f: {  	v8 =	vmul.f32 v8, v2;
	v10 =	vmul.f32 v43, v3;
	_ =	sdelay $0x1  }
0x140: {  	v44 =	vor.u32 $0x20, v5;
	v9 =	vmul.f32 v9, v4;
	v8 =	vadd.f32 v10, v8  }
0x141: {  	v45 =	vor.u32 $0x20, v6  }
0x142: {  	v8 =	vadd.f32 v9, v8  }
0x143: {  	v46 =	vor.u32 $0x20, v7  }
0x144: {  	[tilespmem:s19+$0x18F80] =	vst v8  }
0x145: {  	v8 =	vld.idx.msk [tilespmem:v44+s2+$0x0], $0xffff  }
0x146: {  	v47 =	vld.idx.msk [tilespmem:v45+s2+$0x0], $0xffff;
	_ =	sdelay $0x1  }
0x147: {  	v9 =	vld.idx.msk [tilespmem:v46+s2+$0x0], $0xffff;
	_ =	sdelay $0x2  }
0x148: {  	v8 =	vmul.f32 v8, v2;
	v10 =	vmul.f32 v47, v3;
	_ =	sdelay $0x1  }
0x149: {  	v48 =	vor.u32 $0x21, v5;
	v9 =	vmul.f32 v9, v4;
	v8 =	vadd.f32 v10, v8  }
0x14a: {  	v49 =	vor.u32 $0x21, v6  }
0x14b: {  	v8 =	vadd.f32 v9, v8  }
0x14c: {  	v50 =	vor.u32 $0x21, v7  }
0x14d: {  	[tilespmem:s19+$0x19000] =	vst v8  }
0x14e: {  	v8 =	vld.idx.msk [tilespmem:v48+s2+$0x0], $0xffff  }
0x14f: {  	v51 =	vld.idx.msk [tilespmem:v49+s2+$0x0], $0xffff;
	_ =	sdelay $0x1  }
0x150: {  	v9 =	vld.idx.msk [tilespmem:v50+s2+$0x0], $0xffff;
	_ =	sdelay $0x2  }
0x151: {  	v8 =	vmul.f32 v8, v2;
	v10 =	vmul.f32 v51, v3;
	_ =	sdelay $0x1  }
0x152: {  	v52 =	vor.u32 $0x22, v5;
	v9 =	vmul.f32 v9, v4;
	v8 =	vadd.f32 v10, v8  }
0x153: {  	v53 =	vor.u32 $0x22, v6  }
0x154: {  	v8 =	vadd.f32 v9, v8  }
0x155: {  	v54 =	vor.u32 $0x22, v7  }
0x156: {  	[tilespmem:s19+$0x19080] =	vst v8  }
0x157: {  	v8 =	vld.idx.msk [tilespmem:v52+s2+$0x0], $0xffff  }
0x158: {  	v55 =	vld.idx.msk [tilespmem:v53+s2+$0x0], $0xffff;
	_ =	sdelay $0x1  }
0x159: {  	v9 =	vld.idx.msk [tilespmem:v54+s2+$0x0], $0xffff;
	_ =	sdelay $0x2  }
0x15a: {  	v8 =	vmul.f32 v8, v2;
	v10 =	vmul.f32 v55, v3;
	_ =	sdelay $0x1  }
0x15b: {  	v56 =	vor.u32 $0x23, v5;
	v9 =	vmul.f32 v9, v4;
	v8 =	vadd.f32 v10, v8  }
0x15c: {  	v57 =	vor.u32 $0x23, v6  }
0x15d: {  	v8 =	vadd.f32 v9, v8  }
0x15e: {  	v58 =	vor.u32 $0x23, v7  }
0x15f: {  	[tilespmem:s19+$0x19100] =	vst v8  }
0x160: {  	v8 =	vld.idx.msk [tilespmem:v56+s2+$0x0], $0xffff  }
0x161: {  	v59 =	vld.idx.msk [tilespmem:v57+s2+$0x0], $0xffff;
	_ =	sdelay $0x1  }
0x162: {  	v9 =	vld.idx.msk [tilespmem:v58+s2+$0x0], $0xffff;
	_ =	sdelay $0x2  }
0x163: {  	v8 =	vmul.f32 v8, v2;
	v10 =	vmul.f32 v59, v3;
	_ =	sdelay $0x1  }
0x164: {  	v60 =	vor.u32 $0x24, v5;
	v9 =	vmul.f32 v9, v4;
	v8 =	vadd.f32 v10, v8  }
0x165: {  	v61 =	vor.u32 $0x24, v6  }
0x166: {  	v8 =	vadd.f32 v9, v8  }
0x167: {  	v62 =	vor.u32 $0x24, v7  }
0x168: {  	[tilespmem:s19+$0x19180] =	vst v8  }
0x169: {  	v8 =	vld.idx.msk [tilespmem:v60+s2+$0x0], $0xffff  }
0x16a: {  	v63 =	vld.idx.msk [tilespmem:v61+s2+$0x0], $0xffff;
	_ =	sdelay $0x1  }
0x16b: {  	v9 =	vld.idx.msk [tilespmem:v62+s2+$0x0], $0xffff;
	_ =	sdelay $0x2  }
0x16c: {  	v8 =	vmul.f32 v8, v2;
	v10 =	vmul.f32 v63, v3;
	_ =	sdelay $0x1  }
0x16d: {  	v12 =	vor.u32 $0x25, v5;
	v9 =	vmul.f32 v9, v4;
	v8 =	vadd.f32 v10, v8  }
0x16e: {  	v13 =	vor.u32 $0x25, v6  }
0x16f: {  	v8 =	vadd.f32 v9, v8  }
0x170: {  	v14 =	vor.u32 $0x25, v7  }
0x171: {  	[tilespmem:s19+$0x19200] =	vst v8  }
0x172: {  	v8 =	vld.idx.msk [tilespmem:v12+s2+$0x0], $0xffff  }
0x173: {  	v15 =	vld.idx.msk [tilespmem:v13+s2+$0x0], $0xffff;
	_ =	sdelay $0x1  }
0x174: {  	v9 =	vld.idx.msk [tilespmem:v14+s2+$0x0], $0xffff;
	_ =	sdelay $0x2  }
0x175: {  	v8 =	vmul.f32 v8, v2;
	v10 =	vmul.f32 v15, v3;
	_ =	sdelay $0x1  }
0x176: {  	v16 =	vor.u32 $0x26, v5;
	v9 =	vmul.f32 v9, v4;
	v8 =	vadd.f32 v10, v8  }
0x177: {  	v17 =	vor.u32 $0x26, v6  }
0x178: {  	v8 =	vadd.f32 v9, v8  }
0x179: {  	v18 =	vor.u32 $0x26, v7  }
0x17a: {  	[tilespmem:s19+$0x19280] =	vst v8  }
0x17b: {  	v8 =	vld.idx.msk [tilespmem:v16+s2+$0x0], $0xffff  }
0x17c: {  	v19 =	vld.idx.msk [tilespmem:v17+s2+$0x0], $0xffff;
	_ =	sdelay $0x1  }
0x17d: {  	v9 =	vld.idx.msk [tilespmem:v18+s2+$0x0], $0xffff;
	_ =	sdelay $0x2  }
0x17e: {  	v8 =	vmul.f32 v8, v2;
	v10 =	vmul.f32 v19, v3;
	_ =	sdelay $0x1  }
0x17f: {  	v20 =	vor.u32 $0x27, v5;
	v9 =	vmul.f32 v9, v4;
	v8 =	vadd.f32 v10, v8  }
0x180: {  	v21 =	vor.u32 $0x27, v6  }
0x181: {  	v8 =	vadd.f32 v9, v8  }
0x182: {  	v22 =	vor.u32 $0x27, v7  }
0x183: {  	[tilespmem:s19+$0x19300] =	vst v8  }
0x184: {  	v8 =	vld.idx.msk [tilespmem:v20+s2+$0x0], $0xffff  }
0x185: {  	v23 =	vld.idx.msk [tilespmem:v21+s2+$0x0], $0xffff;
	_ =	sdelay $0x1  }
0x186: {  	v9 =	vld.idx.msk [tilespmem:v22+s2+$0x0], $0xffff;
	_ =	sdelay $0x2  }
0x187: {  	v8 =	vmul.f32 v8, v2;
	v10 =	vmul.f32 v23, v3;
	_ =	sdelay $0x1  }
0x188: {  	v24 =	vor.u32 $0x28, v5;
	v9 =	vmul.f32 v9, v4;
	v8 =	vadd.f32 v10, v8  }
0x189: {  	v25 =	vor.u32 $0x28, v6  }
0x18a: {  	v8 =	vadd.f32 v9, v8  }
0x18b: {  	v26 =	vor.u32 $0x28, v7  }
0x18c: {  	[tilespmem:s19+$0x19380] =	vst v8  }
0x18d: {  	v8 =	vld.idx.msk [tilespmem:v24+s2+$0x0], $0xffff  }
0x18e: {  	v27 =	vld.idx.msk [tilespmem:v25+s2+$0x0], $0xffff;
	_ =	sdelay $0x1  }
0x18f: {  	v9 =	vld.idx.msk [tilespmem:v26+s2+$0x0], $0xffff;
	_ =	sdelay $0x2  }
0x190: {  	v8 =	vmul.f32 v8, v2;
	v10 =	vmul.f32 v27, v3;
	_ =	sdelay $0x1  }
0x191: {  	v28 =	vor.u32 $0x29, v5;
	v9 =	vmul.f32 v9, v4;
	v8 =	vadd.f32 v10, v8  }
0x192: {  	v29 =	vor.u32 $0x29, v6  }
0x193: {  	v8 =	vadd.f32 v9, v8  }
0x194: {  	v30 =	vor.u32 $0x29, v7  }
0x195: {  	[tilespmem:s19+$0x19400] =	vst v8  }
0x196: {  	v8 =	vld.idx.msk [tilespmem:v28+s2+$0x0], $0xffff  }
0x197: {  	v31 =	vld.idx.msk [tilespmem:v29+s2+$0x0], $0xffff;
	_ =	sdelay $0x1  }
0x198: {  	v9 =	vld.idx.msk [tilespmem:v30+s2+$0x0], $0xffff;
	_ =	sdelay $0x2  }
0x199: {  	v8 =	vmul.f32 v8, v2;
	v10 =	vmul.f32 v31, v3;
	_ =	sdelay $0x1  }
0x19a: {  	v32 =	vor.u32 $0x2A, v5;
	v9 =	vmul.f32 v9, v4;
	v8 =	vadd.f32 v10, v8  }
0x19b: {  	v33 =	vor.u32 $0x2A, v6  }
0x19c: {  	v8 =	vadd.f32 v9, v8  }
0x19d: {  	v34 =	vor.u32 $0x2A, v7  }
0x19e: {  	[tilespmem:s19+$0x19480] =	vst v8  }
0x19f: {  	v8 =	vld.idx.msk [tilespmem:v32+s2+$0x0], $0xffff  }
0x1a0: {  	v35 =	vld.idx.msk [tilespmem:v33+s2+$0x0], $0xffff;
	_ =	sdelay $0x1  }
0x1a1: {  	v9 =	vld.idx.msk [tilespmem:v34+s2+$0x0], $0xffff;
	_ =	sdelay $0x2  }
0x1a2: {  	v8 =	vmul.f32 v8, v2;
	v10 =	vmul.f32 v35, v3;
	_ =	sdelay $0x1  }
0x1a3: {  	v36 =	vor.u32 $0x2B, v5;
	v9 =	vmul.f32 v9, v4;
	v8 =	vadd.f32 v10, v8  }
0x1a4: {  	v37 =	vor.u32 $0x2B, v6  }
0x1a5: {  	v8 =	vadd.f32 v9, v8  }
0x1a6: {  	v38 =	vor.u32 $0x2B, v7  }
0x1a7: {  	[tilespmem:s19+$0x19500] =	vst v8  }
0x1a8: {  	v8 =	vld.idx.msk [tilespmem:v36+s2+$0x0], $0xffff  }
0x1a9: {  	v39 =	vld.idx.msk [tilespmem:v37+s2+$0x0], $0xffff;
	_ =	sdelay $0x1  }
0x1aa: {  	v9 =	vld.idx.msk [tilespmem:v38+s2+$0x0], $0xffff;
	_ =	sdelay $0x2  }
0x1ab: {  	v8 =	vmul.f32 v8, v2;
	v10 =	vmul.f32 v39, v3;
	_ =	sdelay $0x1  }
0x1ac: {  	v40 =	vor.u32 $0x2C, v5;
	v9 =	vmul.f32 v9, v4;
	v8 =	vadd.f32 v10, v8  }
0x1ad: {  	v41 =	vor.u32 $0x2C, v6  }
0x1ae: {  	v8 =	vadd.f32 v9, v8  }
0x1af: {  	v42 =	vor.u32 $0x2C, v7  }
0x1b0: {  	[tilespmem:s19+$0x19580] =	vst v8  }
0x1b1: {  	v8 =	vld.idx.msk [tilespmem:v40+s2+$0x0], $0xffff  }
0x1b2: {  	v43 =	vld.idx.msk [tilespmem:v41+s2+$0x0], $0xffff;
	_ =	sdelay $0x1  }
0x1b3: {  	v9 =	vld.idx.msk [tilespmem:v42+s2+$0x0], $0xffff;
	_ =	sdelay $0x2  }
0x1b4: {  	v8 =	vmul.f32 v8, v2;
	v10 =	vmul.f32 v43, v3;
	_ =	sdelay $0x1  }
0x1b5: {  	v44 =	vor.u32 $0x2D, v5;
	v9 =	vmul.f32 v9, v4;
	v8 =	vadd.f32 v10, v8  }
0x1b6: {  	v45 =	vor.u32 $0x2D, v6  }
0x1b7: {  	v8 =	vadd.f32 v9, v8  }
0x1b8: {  	v46 =	vor.u32 $0x2D, v7  }
0x1b9: {  	[tilespmem:s19+$0x19600] =	vst v8  }
0x1ba: {  	v8 =	vld.idx.msk [tilespmem:v44+s2+$0x0], $0xffff  }
0x1bb: {  	v47 =	vld.idx.msk [tilespmem:v45+s2+$0x0], $0xffff;
	_ =	sdelay $0x1  }
0x1bc: {  	v9 =	vld.idx.msk [tilespmem:v46+s2+$0x0], $0xffff;
	_ =	sdelay $0x2  }
0x1bd: {  	v8 =	vmul.f32 v8, v2;
	v10 =	vmul.f32 v47, v3;
	_ =	sdelay $0x1  }
0x1be: {  	v48 =	vor.u32 $0x2E, v5;
	v9 =	vmul.f32 v9, v4;
	v8 =	vadd.f32 v10, v8  }
0x1bf: {  	v49 =	vor.u32 $0x2E, v6  }
0x1c0: {  	v8 =	vadd.f32 v9, v8  }
0x1c1: {  	v50 =	vor.u32 $0x2E, v7  }
0x1c2: {  	[tilespmem:s19+$0x19680] =	vst v8  }
0x1c3: {  	v8 =	vld.idx.msk [tilespmem:v48+s2+$0x0], $0xffff  }
0x1c4: {  	v51 =	vld.idx.msk [tilespmem:v49+s2+$0x0], $0xffff;
	_ =	sdelay $0x1  }
0x1c5: {  	v9 =	vld.idx.msk [tilespmem:v50+s2+$0x0], $0xffff;
	_ =	sdelay $0x2  }
0x1c6: {  	v8 =	vmul.f32 v8, v2;
	v10 =	vmul.f32 v51, v3;
	_ =	sdelay $0x1  }
0x1c7: {  	v52 =	vor.u32 $0x2F, v5;
	v9 =	vmul.f32 v9, v4;
	v8 =	vadd.f32 v10, v8  }
0x1c8: {  	v53 =	vor.u32 $0x2F, v6  }
0x1c9: {  	v8 =	vadd.f32 v9, v8  }
0x1ca: {  	v54 =	vor.u32 $0x2F, v7  }
0x1cb: {  	[tilespmem:s19+$0x19700] =	vst v8  }
0x1cc: {  	v8 =	vld.idx.msk [tilespmem:v52+s2+$0x0], $0xffff  }
0x1cd: {  	v55 =	vld.idx.msk [tilespmem:v53+s2+$0x0], $0xffff;
	_ =	sdelay $0x1  }
0x1ce: {  	v9 =	vld.idx.msk [tilespmem:v54+s2+$0x0], $0xffff;
	_ =	sdelay $0x2  }
0x1cf: {  	v8 =	vmul.f32 v8, v2;
	v10 =	vmul.f32 v55, v3;
	_ =	sdelay $0x1  }
0x1d0: {  	v56 =	vor.u32 $0x30, v5;
	v9 =	vmul.f32 v9, v4;
	v8 =	vadd.f32 v10, v8  }
0x1d1: {  	v57 =	vor.u32 $0x30, v6  }
0x1d2: {  	v8 =	vadd.f32 v9, v8  }
0x1d3: {  	v58 =	vor.u32 $0x30, v7  }
0x1d4: {  	[tilespmem:s19+$0x19780] =	vst v8  }
0x1d5: {  	v8 =	vld.idx.msk [tilespmem:v56+s2+$0x0], $0xffff  }
0x1d6: {  	v59 =	vld.idx.msk [tilespmem:v57+s2+$0x0], $0xffff;
	_ =	sdelay $0x1  }
0x1d7: {  	v9 =	vld.idx.msk [tilespmem:v58+s2+$0x0], $0xffff;
	_ =	sdelay $0x2  }
0x1d8: {  	v8 =	vmul.f32 v8, v2;
	v10 =	vmul.f32 v59, v3;
	_ =	sdelay $0x1  }
0x1d9: {  	v60 =	vor.u32 $0x31, v5;
	v9 =	vmul.f32 v9, v4;
	v8 =	vadd.f32 v10, v8  }
0x1da: {  	v61 =	vor.u32 $0x31, v6  }
0x1db: {  	v8 =	vadd.f32 v9, v8  }
0x1dc: {  	v62 =	vor.u32 $0x31, v7  }
0x1dd: {  	[tilespmem:s19+$0x19800] =	vst v8  }
0x1de: {  	v8 =	vld.idx.msk [tilespmem:v60+s2+$0x0], $0xffff  }
0x1df: {  	v63 =	vld.idx.msk [tilespmem:v61+s2+$0x0], $0xffff;
	_ =	sdelay $0x1  }
0x1e0: {  	v9 =	vld.idx.msk [tilespmem:v62+s2+$0x0], $0xffff;
	_ =	sdelay $0x2  }
0x1e1: {  	v8 =	vmul.f32 v8, v2;
	v10 =	vmul.f32 v63, v3;
	_ =	sdelay $0x1  }
0x1e2: {  	v12 =	vor.u32 $0x32, v5;
	v9 =	vmul.f32 v9, v4;
	v8 =	vadd.f32 v10, v8  }
0x1e3: {  	v13 =	vor.u32 $0x32, v6  }
0x1e4: {  	v8 =	vadd.f32 v9, v8  }
0x1e5: {  	v14 =	vor.u32 $0x32, v7  }
0x1e6: {  	[tilespmem:s19+$0x19880] =	vst v8  }
0x1e7: {  	v8 =	vld.idx.msk [tilespmem:v12+s2+$0x0], $0xffff  }
0x1e8: {  	v15 =	vld.idx.msk [tilespmem:v13+s2+$0x0], $0xffff;
	_ =	sdelay $0x1  }
0x1e9: {  	v9 =	vld.idx.msk [tilespmem:v14+s2+$0x0], $0xffff;
	_ =	sdelay $0x2  }
0x1ea: {  	v8 =	vmul.f32 v8, v2;
	v10 =	vmul.f32 v15, v3;
	_ =	sdelay $0x1  }
0x1eb: {  	v16 =	vor.u32 $0x33, v5;
	v9 =	vmul.f32 v9, v4;
	v8 =	vadd.f32 v10, v8  }
0x1ec: {  	v17 =	vor.u32 $0x33, v6  }
0x1ed: {  	v8 =	vadd.f32 v9, v8  }
0x1ee: {  	v18 =	vor.u32 $0x33, v7  }
0x1ef: {  	[tilespmem:s19+$0x19900] =	vst v8  }
0x1f0: {  	v8 =	vld.idx.msk [tilespmem:v16+s2+$0x0], $0xffff  }
0x1f1: {  	v19 =	vld.idx.msk [tilespmem:v17+s2+$0x0], $0xffff;
	_ =	sdelay $0x1  }
0x1f2: {  	v9 =	vld.idx.msk [tilespmem:v18+s2+$0x0], $0xffff;
	_ =	sdelay $0x2  }
0x1f3: {  	v8 =	vmul.f32 v8, v2;
	v10 =	vmul.f32 v19, v3;
	_ =	sdelay $0x1  }
0x1f4: {  	v20 =	vor.u32 $0x34, v5;
	v9 =	vmul.f32 v9, v4;
	v8 =	vadd.f32 v10, v8  }
0x1f5: {  	v21 =	vor.u32 $0x34, v6  }
0x1f6: {  	v8 =	vadd.f32 v9, v8  }
0x1f7: {  	v22 =	vor.u32 $0x34, v7  }
0x1f8: {  	[tilespmem:s19+$0x19980] =	vst v8  }
0x1f9: {  	v8 =	vld.idx.msk [tilespmem:v20+s2+$0x0], $0xffff  }
0x1fa: {  	v23 =	vld.idx.msk [tilespmem:v21+s2+$0x0], $0xffff;
	_ =	sdelay $0x1  }
0x1fb: {  	v9 =	vld.idx.msk [tilespmem:v22+s2+$0x0], $0xffff;
	_ =	sdelay $0x2  }
0x1fc: {  	v8 =	vmul.f32 v8, v2;
	v10 =	vmul.f32 v23, v3;
	_ =	sdelay $0x1  }
0x1fd: {  	v24 =	vor.u32 $0x35, v5;
	v9 =	vmul.f32 v9, v4;
	v8 =	vadd.f32 v10, v8  }
0x1fe: {  	v25 =	vor.u32 $0x35, v6  }
0x1ff: {  	v8 =	vadd.f32 v9, v8  }
0x200: {  	v26 =	vor.u32 $0x35, v7  }
0x201: {  	[tilespmem:s19+$0x19A00] =	vst v8  }
0x202: {  	v8 =	vld.idx.msk [tilespmem:v24+s2+$0x0], $0xffff  }
0x203: {  	v27 =	vld.idx.msk [tilespmem:v25+s2+$0x0], $0xffff;
	_ =	sdelay $0x1  }
0x204: {  	v9 =	vld.idx.msk [tilespmem:v26+s2+$0x0], $0xffff;
	_ =	sdelay $0x2  }
0x205: {  	v8 =	vmul.f32 v8, v2;
	v10 =	vmul.f32 v27, v3;
	_ =	sdelay $0x1  }
0x206: {  	v28 =	vor.u32 $0x36, v5;
	v9 =	vmul.f32 v9, v4;
	v8 =	vadd.f32 v10, v8  }
0x207: {  	v29 =	vor.u32 $0x36, v6  }
0x208: {  	v8 =	vadd.f32 v9, v8  }
0x209: {  	v30 =	vor.u32 $0x36, v7  }
0x20a: {  	[tilespmem:s19+$0x19A80] =	vst v8  }
0x20b: {  	v8 =	vld.idx.msk [tilespmem:v28+s2+$0x0], $0xffff  }
0x20c: {  	v31 =	vld.idx.msk [tilespmem:v29+s2+$0x0], $0xffff;
	_ =	sdelay $0x1  }
0x20d: {  	v9 =	vld.idx.msk [tilespmem:v30+s2+$0x0], $0xffff;
	_ =	sdelay $0x2  }
0x20e: {  	v8 =	vmul.f32 v8, v2;
	v10 =	vmul.f32 v31, v3;
	_ =	sdelay $0x1  }
0x20f: {  	v32 =	vor.u32 $0x37, v5;
	v9 =	vmul.f32 v9, v4;
	v8 =	vadd.f32 v10, v8  }
0x210: {  	v33 =	vor.u32 $0x37, v6  }
0x211: {  	v8 =	vadd.f32 v9, v8  }
0x212: {  	v34 =	vor.u32 $0x37, v7  }
0x213: {  	[tilespmem:s19+$0x19B00] =	vst v8  }
0x214: {  	v8 =	vld.idx.msk [tilespmem:v32+s2+$0x0], $0xffff  }
0x215: {  	v35 =	vld.idx.msk [tilespmem:v33+s2+$0x0], $0xffff;
	_ =	sdelay $0x1  }
0x216: {  	v9 =	vld.idx.msk [tilespmem:v34+s2+$0x0], $0xffff;
	_ =	sdelay $0x2  }
0x217: {  	v8 =	vmul.f32 v8, v2;
	v10 =	vmul.f32 v35, v3;
	_ =	sdelay $0x1  }
0x218: {  	v36 =	vor.u32 $0x38, v5;
	v9 =	vmul.f32 v9, v4;
	v8 =	vadd.f32 v10, v8  }
0x219: {  	v37 =	vor.u32 $0x38, v6  }
0x21a: {  	v8 =	vadd.f32 v9, v8  }
0x21b: {  	v38 =	vor.u32 $0x38, v7  }
0x21c: {  	[tilespmem:s19+$0x19B80] =	vst v8  }
0x21d: {  	v8 =	vld.idx.msk [tilespmem:v36+s2+$0x0], $0xffff  }
0x21e: {  	v39 =	vld.idx.msk [tilespmem:v37+s2+$0x0], $0xffff;
	_ =	sdelay $0x1  }
0x21f: {  	v9 =	vld.idx.msk [tilespmem:v38+s2+$0x0], $0xffff;
	_ =	sdelay $0x2  }
0x220: {  	v8 =	vmul.f32 v8, v2;
	v10 =	vmul.f32 v39, v3;
	_ =	sdelay $0x1  }
0x221: {  	v40 =	vor.u32 $0x39, v5;
	v9 =	vmul.f32 v9, v4;
	v8 =	vadd.f32 v10, v8  }
0x222: {  	v41 =	vor.u32 $0x39, v6  }
0x223: {  	v8 =	vadd.f32 v9, v8  }
0x224: {  	v42 =	vor.u32 $0x39, v7  }
0x225: {  	[tilespmem:s19+$0x19C00] =	vst v8  }
0x226: {  	v8 =	vld.idx.msk [tilespmem:v40+s2+$0x0], $0xffff  }
0x227: {  	v43 =	vld.idx.msk [tilespmem:v41+s2+$0x0], $0xffff;
	_ =	sdelay $0x1  }
0x228: {  	v9 =	vld.idx.msk [tilespmem:v42+s2+$0x0], $0xffff;
	_ =	sdelay $0x2  }
0x229: {  	v8 =	vmul.f32 v8, v2;
	v10 =	vmul.f32 v43, v3;
	_ =	sdelay $0x1  }
0x22a: {  	v44 =	vor.u32 $0x3A, v5;
	v9 =	vmul.f32 v9, v4;
	v8 =	vadd.f32 v10, v8  }
0x22b: {  	v45 =	vor.u32 $0x3A, v6  }
0x22c: {  	v8 =	vadd.f32 v9, v8  }
0x22d: {  	v46 =	vor.u32 $0x3A, v7  }
0x22e: {  	[tilespmem:s19+$0x19C80] =	vst v8  }
0x22f: {  	v8 =	vld.idx.msk [tilespmem:v44+s2+$0x0], $0xffff  }
0x230: {  	v47 =	vld.idx.msk [tilespmem:v45+s2+$0x0], $0xffff;
	_ =	sdelay $0x1  }
0x231: {  	v9 =	vld.idx.msk [tilespmem:v46+s2+$0x0], $0xffff;
	_ =	sdelay $0x2  }
0x232: {  	v8 =	vmul.f32 v8, v2;
	v10 =	vmul.f32 v47, v3;
	_ =	sdelay $0x1  }
0x233: {  	v48 =	vor.u32 $0x3B, v5;
	v9 =	vmul.f32 v9, v4;
	v8 =	vadd.f32 v10, v8  }
0x234: {  	v49 =	vor.u32 $0x3B, v6  }
0x235: {  	v8 =	vadd.f32 v9, v8  }
0x236: {  	v50 =	vor.u32 $0x3B, v7  }
0x237: {  	[tilespmem:s19+$0x19D00] =	vst v8  }
0x238: {  	v8 =	vld.idx.msk [tilespmem:v48+s2+$0x0], $0xffff  }
0x239: {  	v51 =	vld.idx.msk [tilespmem:v49+s2+$0x0], $0xffff;
	_ =	sdelay $0x1  }
0x23a: {  	v9 =	vld.idx.msk [tilespmem:v50+s2+$0x0], $0xffff;
	_ =	sdelay $0x2  }
0x23b: {  	v8 =	vmul.f32 v8, v2;
	v10 =	vmul.f32 v51, v3;
	_ =	sdelay $0x1  }
0x23c: {  	v52 =	vor.u32 $0x3C, v5;
	v9 =	vmul.f32 v9, v4;
	v8 =	vadd.f32 v10, v8  }
0x23d: {  	v53 =	vor.u32 $0x3C, v6  }
0x23e: {  	v8 =	vadd.f32 v9, v8  }
0x23f: {  	v54 =	vor.u32 $0x3C, v7  }
0x240: {  	[tilespmem:s19+$0x19D80] =	vst v8  }
0x241: {  	v8 =	vld.idx.msk [tilespmem:v52+s2+$0x0], $0xffff  }
0x242: {  	v55 =	vld.idx.msk [tilespmem:v53+s2+$0x0], $0xffff;
	_ =	sdelay $0x1  }
0x243: {  	v9 =	vld.idx.msk [tilespmem:v54+s2+$0x0], $0xffff;
	_ =	sdelay $0x2  }
0x244: {  	v8 =	vmul.f32 v8, v2;
	v10 =	vmul.f32 v55, v3;
	_ =	sdelay $0x1  }
0x245: {  	v56 =	vor.u32 $0x3D, v5;
	v9 =	vmul.f32 v9, v4;
	v8 =	vadd.f32 v10, v8  }
0x246: {  	v57 =	vor.u32 $0x3D, v6  }
0x247: {  	v8 =	vadd.f32 v9, v8  }
0x248: {  	v58 =	vor.u32 $0x3D, v7  }
0x249: {  	[tilespmem:s19+$0x19E00] =	vst v8  }
0x24a: {  	v8 =	vld.idx.msk [tilespmem:v56+s2+$0x0], $0xffff  }
0x24b: {  	v59 =	vld.idx.msk [tilespmem:v57+s2+$0x0], $0xffff;
	_ =	sdelay $0x1  }
0x24c: {  	v9 =	vld.idx.msk [tilespmem:v58+s2+$0x0], $0xffff;
	_ =	sdelay $0x2  }
0x24d: {  	v8 =	vmul.f32 v8, v2;
	v10 =	vmul.f32 v59, v3;
	_ =	sdelay $0x1  }
0x24e: {  	v60 =	vor.u32 $0x3E, v5;
	v9 =	vmul.f32 v9, v4;
	v8 =	vadd.f32 v10, v8  }
0x24f: {  	v61 =	vor.u32 $0x3E, v6  }
0x250: {  	v8 =	vadd.f32 v9, v8  }
0x251: {  	v62 =	vor.u32 $0x3E, v7  }
0x252: {  	[tilespmem:s19+$0x19E80] =	vst v8  }
0x253: {  	v8 =	vld.idx.msk [tilespmem:v60+s2+$0x0], $0xffff  }
0x254: {  	v63 =	vld.idx.msk [tilespmem:v61+s2+$0x0], $0xffff;
	_ =	sdelay $0x1  }
0x255: {  	v9 =	vld.idx.msk [tilespmem:v62+s2+$0x0], $0xffff;
	_ =	sdelay $0x2  }
0x256: {  	v8 =	vmul.f32 v8, v2;
	v10 =	vmul.f32 v63, v3;
	_ =	sdelay $0x1  }
0x257: {  	v5 =	vor.u32 $0x3F, v5;
	v9 =	vmul.f32 v9, v4;
	v8 =	vadd.f32 v10, v8  }
0x258: {  	v6 =	vor.u32 $0x3F, v6  }
0x259: {  	v8 =	vadd.f32 v9, v8  }
0x25a: {  	v7 =	vor.u32 $0x3F, v7  }
0x25b: {  	[tilespmem:s19+$0x19F00] =	vst v8  }
0x25c: {  	v5 =	vld.idx.msk [tilespmem:v5+s2+$0x0], $0xffff  }
0x25d: {  	v6 =	vld.idx.msk [tilespmem:v6+s2+$0x0], $0xffff;
	_ =	sdelay $0x1  }
0x25e: {  	v7 =	vld.idx.msk [tilespmem:v7+s2+$0x0], $0xffff;
	_ =	sdelay $0x2  }
0x25f: {  	v2 =	vmul.f32 v5, v2;
	v3 =	vmul.f32 v6, v3  }
0x260: {  	p0 =	sne.s32 s18, $0x1C0  }
.Ltmp0:
0x261: {  	v2 =	vadd.f32 v3, v2;
	v3 =	vmul.f32 v7, v4;
	(pc) =	sbr.rel @p0 .LBB2_3-.Ltmp0, $3  }
0x262: {  	_ = 	snop  }
0x263: {  	v2 =	vadd.f32 v3, v2;
	_ =	sdelay $0x1  }
0x264: {  	s18 =	sadd.s32 $0x40, s18;
	[tilespmem:s19+$0x19F80] =	vst v2  }
0x265: {  	s18 =	sshll.u32 s17, $0x7;
	s17 =	sadd.s32 $0x1, s17  }
0x266: {  	p0 =	sne.s32 s17, $0x20  }
.Ltmp1:
0x267: {  	s18 =	sadd.s32 s18, s6;
	(pc) =	sbr.rel @p0 .LBB2_2-.Ltmp1, $4  }
0x268: {  	[hbm4b:s18+s11] =	stream.strided.scatter [tilespmem:s13], [sflag:$0x1], $0x2000, s12, s11, $0x38;
	[tilespmem:$0x1A000] =	vst v63  }
0x269: {  	_ =	swait.ge [sflag:s8], $0x2000  }
0x26a: {  	[sflag:s8] =	ssyncset.done $0x0  }
0x26b: {  	s15 =	sadd.s32 $0x200, s15;
	s16 =	sadd.s32 $0x200, s16;
	[sflag:s8] =	ssyncadd.s32 $0xFFFFE000  }
0x26c: {  	s14 =	sadd.s32 $0x1, s14  }
0x26d: {  	p0 =	sne.s32 s14, s7  }
.Ltmp2:
0x26e: {  	_ = 	snop;
	(pc) =	sbr.rel @p0 .LBB2_1-.Ltmp2, $1  }
0x26f: {  	_ =	sdelay $0x3  }
0x270: {  	_ =	sfence.sel $0x180000  }
0x271: {  	[bflag:$0x0] =	sbarrier.arrive $0xFFFF  }
0x272: {  	p0 =	sne.s32 s1, $0x0;
	_ =	strace $0x90000047  }
0x273: {  	s0 =	sadd.s32 @!p0 $0x100000, s0;
	[bflag:$0x2] =	sbarrier.arrive $0xFFFF  }
0x274: {  	[sflag:s0] =	ssyncadd.tile.s32 @!p0 $0x1;
	_ =	shalt  }
.Lfunc_end2:
_tile_overlayer_lowered:
.L_overlay_start_2:
0x275: {  	(tag) =	ssettag $0x2  }
0x276: {  	s0 =	rddreg [dreg:$0x0];
	s2 =	stileid.u32  }
0x277: {  	s1 =	rddreg [dreg:$0x1];
	p0 =	sne.s32 s2, $0x0  }
0x278: {  	s3 =	rddreg [dreg:$0x2];
	[bflag:$0x3] =	sbarrier.arrive $0xFFFF;
	s2 =	simm.s32 @!p0 $0x1C01  }
0x279: {  	[timem:s3], [sflag:s2] =	dma.local @!p0 [hbm:s0], s1  }
0x27a: {  	s0 =	simm.s32 @!p0 $0x1  }
0x27b: {  	_ =	swait.ge @!p0 [sflag:s0], s1  }
0x27c: {  	s1 =	ssub.s32 @!p0 $0x0, s1;
	[sflag:s0] =	ssyncset.done @!p0 $0x0  }
0x27d: {  	[sflag:s0] =	ssyncadd.s32 @!p0 s1  }
0x27e: {  	[bflag:$0x3] =	sbarrier.arrive $0xFFFF  }
0x27f: {  	_ =	shalt  }

</sc_bundles>
